<compile_context>
chip_gen: v7x
topology: tpu7x:2x2x1
jax: 0.10.2.dev20260603
libtpu: 0.0.44.dev20260713+nightly
codegen_flags: <defaults>
</compile_context>

<pallas_src>
import functools

import jax
import jax.numpy as jnp
from jax import lax
from jax.experimental import pallas as pl
from jax.experimental.pallas import tpu as pltpu
from jax.experimental.pallas import tpu_sc as plsc

B, N, K = 4, 4096, 8
BN = B * N
TN = 512
GRID = BN // TN
TR = 1024
EPS = 1e-5
_BIG = 1 << 30
_INF = float("inf")



def _accum_stats(i, h, s_ref, ss_ref):
    ts = jnp.sum(h, axis=0, keepdims=True)
    tss = jnp.sum(h * h, axis=0, keepdims=True)

    @pl.when(i == 0)
    def _():
        s_ref[...] = ts
        ss_ref[...] = tss

    @pl.when(i > 0)
    def _():
        s_ref[...] += ts
        ss_ref[...] += tss


def _k1_body(pts_ref, w1t_ref, b1_ref, h1_ref, s_ref, ss_ref):
    i = pl.program_id(0)
    h = jnp.dot(pts_ref[...], w1t_ref[...],
                preferred_element_type=jnp.float32) + b1_ref[...]
    h1_ref[...] = h
    _accum_stats(i, h, s_ref, ss_ref)


def _k2_body(h1_ref, a1_ref, c1_ref, w3t_ref, b3_ref,
             lf_ref, h3low_ref, s_ref, ss_ref, hmax_ref, hmin_ref):
    i = pl.program_id(0)
    lf = jnp.maximum(h1_ref[...] * a1_ref[...] + c1_ref[...], 0.0)
    lf_ref[...] = lf
    h3 = jnp.dot(lf, w3t_ref[...],
                 preferred_element_type=jnp.float32) + b3_ref[...]
    h3low_ref[...] = h3[:, :K]
    _accum_stats(i, h3, s_ref, ss_ref)
    tmax = jnp.max(h3, axis=0, keepdims=True)
    tmin = jnp.min(h3, axis=0, keepdims=True)

    @pl.when(i % (GRID // B) == 0)
    def _():
        hmax_ref[0] = tmax
        hmin_ref[0] = tmin

    @pl.when(i % (GRID // B) > 0)
    def _():
        hmax_ref[0] = jnp.maximum(hmax_ref[0], tmax)
        hmin_ref[0] = jnp.minimum(hmin_ref[0], tmin)


def _k5_body(lf_ref, loc_ref, gmax_ref, w4mt_ref, w4gt_ref, w4s_ref, b4_ref,
             h4_ref, s_ref, ss_ref):
    i = pl.program_id(0)
    gterm = jnp.dot(gmax_ref[0], w4gt_ref[...],
                    preferred_element_type=jnp.float32)
    h = (jnp.dot(lf_ref[...], w4mt_ref[...],
                 preferred_element_type=jnp.float32)
         + loc_ref[...] * w4s_ref[...]
         + gterm + b4_ref[...])
    h4_ref[...] = h
    _accum_stats(i, h, s_ref, ss_ref)


def _mid_body(h_ref, a_ref, c_ref, wt_ref, b_ref, out_ref, s_ref, ss_ref):
    i = pl.program_id(0)
    f = jnp.maximum(h_ref[...] * a_ref[...] + c_ref[...], 0.0)
    h = jnp.dot(f, wt_ref[...],
                preferred_element_type=jnp.float32) + b_ref[...]
    out_ref[...] = h
    _accum_stats(i, h, s_ref, ss_ref)


def _k8_body(h_ref, a_ref, c_ref, wt_ref, b_ref, out_ref):
    f = jnp.maximum(h_ref[...] * a_ref[...] + c_ref[...], 0.0)
    out_ref[...] = jnp.dot(f, wt_ref[...],
                           preferred_element_type=jnp.float32) + b_ref[...]


def _row_spec(c):
    return pl.BlockSpec((TN, c), lambda i: (i, 0))


def _full_spec(r, c):
    return pl.BlockSpec((r, c), lambda i: (0, 0))


def _stat_spec(c):
    return pl.BlockSpec((1, c), lambda i: (0, 0))


def _batch_spec(c):
    return pl.BlockSpec((1, 1, c), lambda i: (i // (GRID // B), 0, 0))


def _f32(*shape):
    return jax.ShapeDtypeStruct(shape, jnp.float32)



def _knn_body(prow_ref, pcolt_ref, idx_ref):
    pr = prow_ref[0]
    pt = pcolt_ref[0]
    sqr = jnp.sum(pr * pr, axis=1, keepdims=True)
    sqc = jnp.sum(pt * pt, axis=0, keepdims=True)
    d = sqr + sqc - 2.0 * jnp.dot(pr, pt, preferred_element_type=jnp.float32)
    iota = lax.broadcasted_iota(jnp.int32, (TR, N), 1)
    cols = []
    for _ in range(K):
        mv = jnp.min(d, axis=1, keepdims=True)
        idxc = jnp.where(d == mv, iota, _BIG)
        m = jnp.min(idxc, axis=1, keepdims=True)
        cols.append(m)
        d = jnp.where(idxc == m, _INF, d)
    idx_ref[0] = jnp.concatenate(cols, axis=1)


def _knn_topk(pts_pad, pts_t):
    return pl.pallas_call(
        _knn_body,
        grid=(B, N // TR),
        in_specs=[
            pl.BlockSpec((1, TR, 8), lambda b, r: (b, r, 0)),
            pl.BlockSpec((1, 8, N), lambda b, r: (b, 0, 0)),
        ],
        out_specs=pl.BlockSpec((1, TR, K), lambda b, r: (b, r, 0)),
        out_shape=jax.ShapeDtypeStruct((B, N, K), jnp.int32),
    )(pts_pad, pts_t)



_NW = 32
_PPW = BN // _NW
_STEPS = _PPW // 2


def _perm16(x, idx):
    return lax.gather(
        x, idx[:, None],
        lax.GatherDimensionNumbers(offset_dims=(), collapsed_slice_dims=(0,),
                                   start_index_map=(0,)),
        (1,), mode=lax.GatherScatterMode.PROMISE_IN_BOUNDS)


def _sc_local_max(h3low_flat, idx_flat, apat, cpat):
    mesh = plsc.VectorSubcoreMesh(core_axis_name="c", subcore_axis_name="s")

    @functools.partial(
        pl.kernel,
        out_type=jax.ShapeDtypeStruct((BN,), jnp.float32),
        mesh=mesh,
        compiler_params=pltpu.CompilerParams(needs_layout_passes=False),
        scratch_types=[
            pltpu.VMEM((N * K,), jnp.float32),
            pltpu.VMEM((_PPW * K,), jnp.int32),
            pltpu.VMEM((16,), jnp.float32),
            pltpu.VMEM((16,), jnp.float32),
            pltpu.VMEM((_PPW,), jnp.float32),
        ],
    )
    def k(h3_hbm, idx_hbm, ap_hbm, cp_hbm, out_hbm, h3_v, idx_v, ap_v, cp_v,
          loc_v):
        wid = lax.axis_index("s") * 2 + lax.axis_index("c")
        b = wid // (_NW // B)
        base = wid * _PPW
        pltpu.sync_copy(h3_hbm.at[pl.ds(b * (N * K), N * K)], h3_v)
        pltpu.sync_copy(idx_hbm.at[pl.ds(base * K, _PPW * K)], idx_v)
        pltpu.sync_copy(ap_hbm, ap_v)
        pltpu.sync_copy(cp_hbm, cp_v)
        ap = ap_v[...]
        cp = cp_v[...]
        lane = lax.iota(jnp.int32, 16)
        jlane = lane & 7
        p1 = lane ^ 1
        p2 = lane ^ 2
        p4 = lane ^ 4
        dmask = jlane == 0

        def body(s, carry):
            ridx = idx_v[pl.ds(s * 16, 16)]
            g = plsc.load_gather(h3_v, [ridx * K + jlane])
            xv = jnp.maximum(g * ap + cp, 0.0)
            xv = jnp.maximum(xv, _perm16(xv, p1))
            xv = jnp.maximum(xv, _perm16(xv, p2))
            xv = jnp.maximum(xv, _perm16(xv, p4))
            dest = jnp.where(lane < 8, 2 * s, 2 * s + 1)
            plsc.store_scatter(loc_v, [dest], xv, mask=dmask)
            return carry

        lax.fori_loop(0, _STEPS, body, 0)
        pltpu.sync_copy(loc_v, out_hbm.at[pl.ds(base, _PPW)])

    return k(h3low_flat, idx_flat, apat, cpat)



def _bn_affine(s, ss, gamma, beta):
    mean = s / BN
    var = ss / BN - mean * mean
    a = gamma[None, :] / jnp.sqrt(var + EPS)
    c = beta[None, :] - mean * a
    return a, c


def kernel(points, W1, b1, g1, be1, W3, b3, g3, be3, W4, b4, g4, be4,
           W5, b5, g5, be5, W6, b6, g6, be6, W7, b7):
    f32 = jnp.float32
    pts = points.reshape(BN, 3).astype(f32)
    pts_pad8 = jnp.pad(pts, ((0, 0), (0, 5)))
    pts_pad = pts_pad8.reshape(B, N, 8)
    pts_t = jnp.transpose(pts_pad, (0, 2, 1))

    w1t = W1.T
    w3t = W3.T
    w4mt = W4[:, 512:576].T
    w4gt = W4[:, 576:].T
    w4s = jnp.sum(
        lax.optimization_barrier(
            W4[:, :512].astype(jnp.bfloat16)).astype(f32),
        axis=1)[None, :]
    w5t = W5.T
    w6t = W6.T
    w7t = W7.T
    r2 = lambda v: v[None, :]

    h1, s1, ss1 = pl.pallas_call(
        _k1_body,
        grid=(GRID,),
        in_specs=[_row_spec(8), _full_spec(8, 64), _stat_spec(64)],
        out_specs=[_row_spec(64), _stat_spec(64), _stat_spec(64)],
        out_shape=[_f32(BN, 64), _f32(1, 64), _f32(1, 64)],
    )(pts_pad8, jnp.pad(w1t, ((0, 5), (0, 0))), r2(b1))
    a1, c1 = _bn_affine(s1, ss1, g1, be1)

    lf, h3low, s3, ss3, hmax3, hmin3 = pl.pallas_call(
        _k2_body,
        grid=(GRID,),
        in_specs=[_row_spec(64), _stat_spec(64), _stat_spec(64),
                  _full_spec(64, 512), _stat_spec(512)],
        out_specs=[_row_spec(64), _row_spec(K), _stat_spec(512),
                   _stat_spec(512), _batch_spec(512), _batch_spec(512)],
        out_shape=[_f32(BN, 64), _f32(BN, K), _f32(1, 512), _f32(1, 512),
                   _f32(B, 1, 512), _f32(B, 1, 512)],
    )(h1, a1, c1, w3t, r2(b3))
    a3, c3 = _bn_affine(s3, ss3, g3, be3)

    idx8 = _knn_topk(pts_pad, pts_t)

    apat = jnp.tile(a3[0, :K], 2)
    cpat = jnp.tile(c3[0, :K], 2)
    local = _sc_local_max(h3low.reshape(BN * K), idx8.reshape(BN * K),
                          apat, cpat)
    local = lax.optimization_barrier(
        local.astype(jnp.bfloat16)).astype(f32).reshape(BN, 1)

    gmax = jnp.maximum(
        jnp.maximum(a3[None] * hmax3, a3[None] * hmin3) + c3[None],
        0.0)

    h4, s4, ss4 = pl.pallas_call(
        _k5_body,
        grid=(GRID,),
        in_specs=[_row_spec(64), _row_spec(1), _batch_spec(512),
                  _full_spec(64, 512), _full_spec(512, 512),
                  _stat_spec(512), _stat_spec(512)],
        out_specs=[_row_spec(512), _stat_spec(512), _stat_spec(512)],
        out_shape=[_f32(BN, 512), _f32(1, 512), _f32(1, 512)],
    )(lf, local, gmax, w4mt, w4gt, w4s, r2(b4))
    a4, c4 = _bn_affine(s4, ss4, g4, be4)

    h5, s5, ss5 = pl.pallas_call(
        _mid_body,
        grid=(GRID,),
        in_specs=[_row_spec(512), _stat_spec(512), _stat_spec(512),
                  _full_spec(512, 256), _stat_spec(256)],
        out_specs=[_row_spec(256), _stat_spec(256), _stat_spec(256)],
        out_shape=[_f32(BN, 256), _f32(1, 256), _f32(1, 256)],
    )(h4, a4, c4, w5t, r2(b5))
    a5, c5 = _bn_affine(s5, ss5, g5, be5)

    h6, s6, ss6 = pl.pallas_call(
        _mid_body,
        grid=(GRID,),
        in_specs=[_row_spec(256), _stat_spec(256), _stat_spec(256),
                  _full_spec(256, 128), _stat_spec(128)],
        out_specs=[_row_spec(128), _stat_spec(128), _stat_spec(128)],
        out_shape=[_f32(BN, 128), _f32(1, 128), _f32(1, 128)],
    )(h5, a5, c5, w6t, r2(b6))
    a6, c6 = _bn_affine(s6, ss6, g6, be6)

    out = pl.pallas_call(
        _k8_body,
        grid=(GRID,),
        in_specs=[_row_spec(128), _stat_spec(128), _stat_spec(128),
                  _full_spec(128, 6), _stat_spec(6)],
        out_specs=_row_spec(6),
        out_shape=_f32(BN, 6),
    )(h6, a6, c6, w7t, r2(b7))
    return out.reshape(B, N, 6)

# --- scband reference (transcript-rebuilt; emitter-appended) ---
"""Pipeline reference for scband-local-seg-model-5042291605823 (READ-ONLY COPY).

The authoritative reference and input builder live on the scoring server;
editing this copy changes nothing except your own understanding.
"""

import jax, jax.numpy as jnp
import numpy as np


def _bn(x, gamma, beta, eps=1e-5):
    # x: [B, C, N]; training-mode batch norm over (batch, spatial)
    mean = jnp.mean(x, axis=(0, 2), keepdims=True)
    var = jnp.var(x, axis=(0, 2), keepdims=True)
    xn = (x - mean) / jnp.sqrt(var + eps)
    return xn * gamma[None, :, None] + beta[None, :, None]


def _conv1(x, W, b):
    # 1x1 Conv1d: x [B, C_in, N], W [C_out, C_in], b [C_out]
    return jnp.einsum('oc,bcn->bon', W, x) + b[None, :, None]


def _knn_idx(p, k):
    # p: [B, N, 3]; squared-distance KNN of points to themselves (self included)
    sq = jnp.sum(p * p, axis=-1)  # [B, N]
    d = sq[:, :, None] + sq[:, None, :] - 2.0 * jnp.einsum('bnd,bmd->bnm', p, p)
    _, idx = jax.lax.top_k(-d, k)  # k smallest distances, ascending
    return idx  # [B, N, k] int32


def setup_inputs(seed: int = 0) -> dict:
    key = jax.random.key(seed)
    ks = jax.random.split(key, 24)
    B, N = 4, 4096
    inp = {}
    inp['points'] = jax.random.normal(ks[0], (B, N, 3), dtype=jnp.float32)
    def w(i, shape, scale):
        return jax.random.normal(ks[i], shape, dtype=jnp.float32) * scale
    # mlp1: Conv1d(3,64) + BN
    inp['W1'] = w(1, (64, 3), 0.3); inp['b1'] = jnp.zeros((64,), jnp.float32)
    inp['g1'] = jnp.ones((64,), jnp.float32); inp['be1'] = jnp.zeros((64,), jnp.float32)
    # mlp3: Conv1d(64,512) + BN
    inp['W3'] = w(2, (512, 64), 0.05); inp['b3'] = jnp.zeros((512,), jnp.float32)
    inp['g3'] = jnp.ones((512,), jnp.float32); inp['be3'] = jnp.zeros((512,), jnp.float32)
    # seg_head
    inp['W4'] = w(3, (512, 1088), 0.03); inp['b4'] = jnp.zeros((512,), jnp.float32)
    inp['g4'] = jnp.ones((512,), jnp.float32); inp['be4'] = jnp.zeros((512,), jnp.float32)
    inp['W5'] = w(4, (256, 512), 0.05); inp['b5'] = jnp.zeros((256,), jnp.float32)
    inp['g5'] = jnp.ones((256,), jnp.float32); inp['be5'] = jnp.zeros((256,), jnp.float32)
    inp['W6'] = w(5, (128, 256), 0.08); inp['b6'] = jnp.zeros((128,), jnp.float32)
    inp['g6'] = jnp.ones((128,), jnp.float32); inp['be6'] = jnp.zeros((128,), jnp.float32)
    inp['W7'] = w(6, (6, 128), 0.1); inp['b7'] = jnp.zeros((6,), jnp.float32)
    return inp


def reference(points, W1, b1, g1, be1, W3, b3, g3, be3, W4, b4, g4, be4,
              W5, b5, g5, be5, W6, b6, g6, be6, W7, b7):
    B, N, _ = points.shape
    k = 8
    idx = _knn_idx(points, k)  # [B, N, k]
    pt = jnp.transpose(points, (0, 2, 1))  # [B, 3, N]
    l_feat = jax.nn.relu(_bn(_conv1(pt, W1, b1), g1, be1))       # [B, 64, N]
    x = jax.nn.relu(_bn(_conv1(l_feat, W3, b3), g3, be3))        # [B, 512, N]
    x_t = jnp.transpose(x, (0, 2, 1))  # [B, N, 512]
    # Faithful replication of the torch gather:
    # neighbor_feats[b,n,j,c] = x_t[b, idx[b,n,j], j] (constant over c),
    # then max over j, broadcast over 512 channels.
    b_idx = jnp.arange(B)[:, None, None]
    j_idx = jnp.arange(k)[None, None, :]
    g = x_t[b_idx, idx, j_idx]                                    # [B, N, k]
    local = jnp.max(g, axis=2)                                    # [B, N]
    local_features = jnp.broadcast_to(local[:, None, :], (B, 512, N))  # [B, 512, N]
    global_feat = jnp.broadcast_to(jnp.max(x, axis=2, keepdims=True), (B, 512, N))
    xcat = jnp.concatenate([local_features, l_feat, global_feat], axis=1)  # [B, 1088, N]
    h = jax.nn.relu(_bn(_conv1(xcat, W4, b4), g4, be4))
    h = jax.nn.relu(_bn(_conv1(h, W5, b5), g5, be5))
    h = jax.nn.relu(_bn(_conv1(h, W6, b6), g6, be6))
    h = _conv1(h, W7, b7)                                         # [B, 6, N]
    return jnp.transpose(h, (0, 2, 1))                            # [B, N, 6]

if __name__ == "__main__":
    import jax
    _d = setup_inputs()
    print(jax.jit(kernel)(*tuple(_d.values())))

</pallas_src>

<mosaic_0001>
#map = affine_map<(d0, d1) -> (0)>
module attributes {stable_mosaic.version = 14 : i64} {
  func.func @k(%arg0: i32, %arg1: i32, %arg2: memref<131072xf32, #tpu.memory_space<hbm>>, %arg3: memref<131072xi32, #tpu.memory_space<hbm>>, %arg4: memref<16xf32, #tpu.memory_space<hbm>>, %arg5: memref<16xf32, #tpu.memory_space<hbm>>, %arg6: memref<16384xf32, #tpu.memory_space<hbm>>, %arg7: memref<32768xf32, #tpu.memory_space<vmem>>, %arg8: memref<4096xi32, #tpu.memory_space<vmem>>, %arg9: memref<16xf32, #tpu.memory_space<vmem>>, %arg10: memref<16xf32, #tpu.memory_space<vmem>>, %arg11: memref<512xf32, #tpu.memory_space<vmem>>) attributes {dimension_semantics = [#tpu.dimension_semantics<core_parallel>, #tpu.dimension_semantics<subcore_parallel>], iteration_bounds = array<i64: 2, 16>, scalar_prefetch = 0 : i64, scratch_operands = 5 : i64, tpu.core_type = #tpu.core_type<sc_vector_subcore>, window_params = [{transform_indices = #map}, {transform_indices = #map}, {transform_indices = #map}, {transform_indices = #map}, {transform_indices = #map}]} {
    %mul3A = arith.constant 2 : i32
    %mul3A_0 = arith.muli %arg1, %mul3A : i32
    %add3A = arith.addi %mul3A_0, %arg0 : i32
    %jit3A = arith.constant 8 : i32
    %div3A = arith.divsi %add3A, %jit3A : i32
    %sign3A = arith.constant 0 : i32
    %sign3A_1 = arith.cmpi sgt, %add3A, %sign3A : i32
    %sign3A_2 = arith.extui %sign3A_1 : i1 to i32
    %sign3A_3 = arith.constant 0 : i32
    %sign3A_4 = arith.cmpi slt, %add3A, %sign3A_3 : i32
    %sign3A_5 = arith.extui %sign3A_4 : i1 to i32
    %sign3A_6 = arith.subi %sign3A_2, %sign3A_5 : i32
    %sign3A_7 = arith.constant 0 : i32
    %sign3A_8 = arith.cmpi sgt, %jit3A, %sign3A_7 : i32
    %sign3A_9 = arith.extui %sign3A_8 : i1 to i32
    %sign3A_10 = arith.constant 0 : i32
    %sign3A_11 = arith.cmpi slt, %jit3A, %sign3A_10 : i32
    %sign3A_12 = arith.extui %sign3A_11 : i1 to i32
    %sign3A_13 = arith.subi %sign3A_9, %sign3A_12 : i32
    %ne3A = arith.cmpi ne, %sign3A_6, %sign3A_13 : i32
    %rem3A = arith.remsi %add3A, %jit3A : i32
    %ne3A_14 = arith.constant 0 : i32
    %ne3A_15 = arith.cmpi ne, %rem3A, %ne3A_14 : i32
    %and3A = arith.andi %ne3A, %ne3A_15 : i1
    %sub3A = arith.constant 1 : i32
    %sub3A_16 = arith.subi %div3A, %sub3A : i32
    %select_n3A = arith.select %and3A, %sub3A_16, %div3A : i32
    %mul3A_17 = arith.constant 512 : i32
    %mul3A_18 = arith.muli %add3A, %mul3A_17 : i32
    %mul3A_19 = arith.constant 32768 : i32
    %mul3A_20 = arith.muli %select_n3A, %mul3A_19 : i32
    "tpu.region"() ({
      %run_scoped3A = tpu.sem_alloc : memref<!tpu.dma_semaphore, #tpu.memory_space<semaphore_mem>>
      %dma_start3A = tpu.memref_slice %arg2[%mul3A_20] : memref<131072xf32, #tpu.memory_space<hbm>> -> memref<32768xf32, #tpu.memory_space<hbm>>
      %dma_start3A_44 = tpu.memref_slice %arg2[%mul3A_20] : memref<131072xf32, #tpu.memory_space<hbm>> -> memref<32768xf32, #tpu.memory_space<hbm>>
      tpu.enqueue_dma source(%dma_start3A_44 : memref<32768xf32, #tpu.memory_space<hbm>>) target(%arg7 : memref<32768xf32, #tpu.memory_space<vmem>>) target_semaphore(%run_scoped3A : memref<!tpu.dma_semaphore, #tpu.memory_space<semaphore_mem>>)
      %dma_wait3A = tpu.memref_slice %arg2[%mul3A_20] : memref<131072xf32, #tpu.memory_space<hbm>> -> memref<32768xf32, #tpu.memory_space<hbm>>
      %dma_wait3A_45 = tpu.memref_slice %arg2[%mul3A_20] : memref<131072xf32, #tpu.memory_space<hbm>> -> memref<32768xf32, #tpu.memory_space<hbm>>
      tpu.wait_dma2 semaphore(%run_scoped3A : memref<!tpu.dma_semaphore, #tpu.memory_space<semaphore_mem>>) src(%dma_wait3A_45 : memref<32768xf32, #tpu.memory_space<hbm>>) dst(%arg7 : memref<32768xf32, #tpu.memory_space<vmem>>)
      tpu.yield
    }) : () -> ()
    %mul3A_21 = arith.constant 8 : i32
    %mul3A_22 = arith.muli %mul3A_18, %mul3A_21 : i32
    "tpu.region"() ({
      %run_scoped3A = tpu.sem_alloc : memref<!tpu.dma_semaphore, #tpu.memory_space<semaphore_mem>>
      %dma_start3A = tpu.memref_slice %arg3[%mul3A_22] : memref<131072xi32, #tpu.memory_space<hbm>> -> memref<4096xi32, #tpu.memory_space<hbm>>
      %dma_start3A_44 = tpu.memref_slice %arg3[%mul3A_22] : memref<131072xi32, #tpu.memory_space<hbm>> -> memref<4096xi32, #tpu.memory_space<hbm>>
      tpu.enqueue_dma source(%dma_start3A_44 : memref<4096xi32, #tpu.memory_space<hbm>>) target(%arg8 : memref<4096xi32, #tpu.memory_space<vmem>>) target_semaphore(%run_scoped3A : memref<!tpu.dma_semaphore, #tpu.memory_space<semaphore_mem>>)
      %dma_wait3A = tpu.memref_slice %arg3[%mul3A_22] : memref<131072xi32, #tpu.memory_space<hbm>> -> memref<4096xi32, #tpu.memory_space<hbm>>
      %dma_wait3A_45 = tpu.memref_slice %arg3[%mul3A_22] : memref<131072xi32, #tpu.memory_space<hbm>> -> memref<4096xi32, #tpu.memory_space<hbm>>
      tpu.wait_dma2 semaphore(%run_scoped3A : memref<!tpu.dma_semaphore, #tpu.memory_space<semaphore_mem>>) src(%dma_wait3A_45 : memref<4096xi32, #tpu.memory_space<hbm>>) dst(%arg8 : memref<4096xi32, #tpu.memory_space<vmem>>)
      tpu.yield
    }) : () -> ()
    "tpu.region"() ({
      %run_scoped3A = tpu.sem_alloc : memref<!tpu.dma_semaphore, #tpu.memory_space<semaphore_mem>>
      tpu.enqueue_dma source(%arg4 : memref<16xf32, #tpu.memory_space<hbm>>) target(%arg9 : memref<16xf32, #tpu.memory_space<vmem>>) target_semaphore(%run_scoped3A : memref<!tpu.dma_semaphore, #tpu.memory_space<semaphore_mem>>)
      tpu.wait_dma2 semaphore(%run_scoped3A : memref<!tpu.dma_semaphore, #tpu.memory_space<semaphore_mem>>) src(%arg4 : memref<16xf32, #tpu.memory_space<hbm>>) dst(%arg9 : memref<16xf32, #tpu.memory_space<vmem>>)
      tpu.yield
    }) : () -> ()
    "tpu.region"() ({
      %run_scoped3A = tpu.sem_alloc : memref<!tpu.dma_semaphore, #tpu.memory_space<semaphore_mem>>
      tpu.enqueue_dma source(%arg5 : memref<16xf32, #tpu.memory_space<hbm>>) target(%arg10 : memref<16xf32, #tpu.memory_space<vmem>>) target_semaphore(%run_scoped3A : memref<!tpu.dma_semaphore, #tpu.memory_space<semaphore_mem>>)
      tpu.wait_dma2 semaphore(%run_scoped3A : memref<!tpu.dma_semaphore, #tpu.memory_space<semaphore_mem>>) src(%arg5 : memref<16xf32, #tpu.memory_space<hbm>>) dst(%arg10 : memref<16xf32, #tpu.memory_space<vmem>>)
      tpu.yield
    }) : () -> ()
    %get3A = arith.constant 0 : index
    %get3A_23 = tpu.vector_load %arg9[%get3A] {strides = array<i32>} : memref<16xf32, #tpu.memory_space<vmem>>, vector<16xf32>,
    %get3A_24 = arith.constant 0 : index
    %get3A_25 = tpu.vector_load %arg10[%get3A_24] {strides = array<i32>} : memref<16xf32, #tpu.memory_space<vmem>>, vector<16xf32>,
    %iota3A = tpu.iota {dimensions = array<i32: 0>} : vector<16xi32>
    %and3A_26 = arith.constant 7 : i32
    %and3A_27 = vector.broadcast %and3A_26 : i32 to vector<16xi32>
    %and3A_28 = arith.andi %iota3A, %and3A_27 : vector<16xi32>
    %xor3A = arith.constant 1 : i32
    %xor3A_29 = vector.broadcast %xor3A : i32 to vector<16xi32>
    %xor3A_30 = arith.xori %iota3A, %xor3A_29 : vector<16xi32>
    %xor3A_31 = arith.constant 2 : i32
    %xor3A_32 = vector.broadcast %xor3A_31 : i32 to vector<16xi32>
    %xor3A_33 = arith.xori %iota3A, %xor3A_32 : vector<16xi32>
    %xor3A_34 = arith.constant 4 : i32
    %xor3A_35 = vector.broadcast %xor3A_34 : i32 to vector<16xi32>
    %xor3A_36 = arith.xori %iota3A, %xor3A_35 : vector<16xi32>
    %eq3A = arith.constant 0 : i32
    %eq3A_37 = vector.broadcast %eq3A : i32 to vector<16xi32>
    %eq3A_38 = arith.cmpi eq, %and3A_28, %eq3A_37 : vector<16xi32>
    %scan3A = arith.constant 0 : i32
    %scan3A_39 = arith.constant 0 : i32
    %scan3A_40 = arith.constant 256 : i32
    %scan3A_41 = arith.addi %scan3A_39, %scan3A_40 : i32
    %scan3A_42 = arith.constant 1 : i32
    scf.for %scan3A_44 = %scan3A_39 to %scan3A_41 step %scan3A_42  : i32 {
      %mul3A_45 = arith.constant 16 : i32
      %mul3A_46 = arith.muli %scan3A_44, %mul3A_45 : i32
      %get3A_47 = arith.index_cast %mul3A_46 : i32 to index
      %get3A_48 = tpu.vector_load %arg8[%get3A_47] {strides = array<i32>} : memref<4096xi32, #tpu.memory_space<vmem>>, vector<16xi32>,
      %mul3A_49 = arith.constant 8 : i32
      %mul3A_50 = vector.broadcast %mul3A_49 : i32 to vector<16xi32>
      %mul3A_51 = arith.muli %get3A_48, %mul3A_50 : vector<16xi32>
      %add3A_52 = arith.addi %mul3A_51, %and3A_28 : vector<16xi32>
      %gather3A = tpu.vector_load_idx %arg7[%add3A_52] : memref<32768xf32, #tpu.memory_space<vmem>>[vector<16xi32>], vector<16xf32>,
      %mul3A_53 = arith.mulf %gather3A, %get3A_23 : vector<16xf32>
      %add3A_54 = arith.addf %mul3A_53, %get3A_25 : vector<16xf32>
      %max3A = arith.constant 0.000000e+00 : f32
      %max3A_55 = vector.broadcast %max3A : f32 to vector<16xf32>
      %max3A_56 = arith.maximumf %add3A_54, %max3A_55 : vector<16xf32>
      %broadcast_in_dim3A = vector.shape_cast %xor3A_30 : vector<16xi32> to vector<16x1xi32>
      %gather3A_57 = vector.shape_cast %broadcast_in_dim3A : vector<16x1xi32> to vector<16xi32>
      %gather3A_58 = tpu.dynamic_gather %max3A_56[%gather3A_57] in [0] : vector<16xf32>, vector<16xi32> -> vector<16xf32>
      %max3A_59 = arith.maximumf %max3A_56, %gather3A_58 : vector<16xf32>
      %broadcast_in_dim3A_60 = vector.shape_cast %xor3A_33 : vector<16xi32> to vector<16x1xi32>
      %gather3A_61 = vector.shape_cast %broadcast_in_dim3A_60 : vector<16x1xi32> to vector<16xi32>
      %gather3A_62 = tpu.dynamic_gather %max3A_59[%gather3A_61] in [0] : vector<16xf32>, vector<16xi32> -> vector<16xf32>
      %max3A_63 = arith.maximumf %max3A_59, %gather3A_62 : vector<16xf32>
      %broadcast_in_dim3A_64 = vector.shape_cast %xor3A_36 : vector<16xi32> to vector<16x1xi32>
      %gather3A_65 = vector.shape_cast %broadcast_in_dim3A_64 : vector<16x1xi32> to vector<16xi32>
      %gather3A_66 = tpu.dynamic_gather %max3A_63[%gather3A_65] in [0] : vector<16xf32>, vector<16xi32> -> vector<16xf32>
      %max3A_67 = arith.maximumf %max3A_63, %gather3A_66 : vector<16xf32>
      %lt3A = arith.constant 8 : i32
      %lt3A_68 = vector.broadcast %lt3A : i32 to vector<16xi32>
      %lt3A_69 = arith.cmpi slt, %iota3A, %lt3A_68 : vector<16xi32>
      %mul3A_70 = arith.constant 2 : i32
      %mul3A_71 = arith.muli %mul3A_70, %scan3A_44 : i32
      %mul3A_72 = arith.constant 2 : i32
      %mul3A_73 = arith.muli %mul3A_72, %scan3A_44 : i32
      %add3A_74 = arith.constant 1 : i32
      %add3A_75 = arith.addi %mul3A_73, %add3A_74 : i32
      %broadcast_in_dim3A_76 = vector.broadcast %mul3A_71 : i32 to vector<16xi32>
      %broadcast_in_dim3A_77 = vector.broadcast %add3A_75 : i32 to vector<16xi32>
      %select_n3A_78 = arith.select %lt3A_69, %broadcast_in_dim3A_76, %broadcast_in_dim3A_77 : vector<16xi1>, vector<16xi32>
      tpu.vector_store_idx %arg11[%select_n3A_78], %max3A_67 masked %eq3A_38 : memref<512xf32, #tpu.memory_space<vmem>>[vector<16xi32>], vector<16xf32>, vector<16xi1>
    }
    %scan3A_43 = arith.constant 256 : i32
    "tpu.region"() ({
      %run_scoped3A = tpu.sem_alloc : memref<!tpu.dma_semaphore, #tpu.memory_space<semaphore_mem>>
      %dma_start3A = tpu.memref_slice %arg6[%mul3A_18] : memref<16384xf32, #tpu.memory_space<hbm>> -> memref<512xf32, #tpu.memory_space<hbm>>
      %dma_start3A_44 = tpu.memref_slice %arg6[%mul3A_18] : memref<16384xf32, #tpu.memory_space<hbm>> -> memref<512xf32, #tpu.memory_space<hbm>>
      tpu.enqueue_dma source(%arg11 : memref<512xf32, #tpu.memory_space<vmem>>) target(%dma_start3A_44 : memref<512xf32, #tpu.memory_space<hbm>>) target_semaphore(%run_scoped3A : memref<!tpu.dma_semaphore, #tpu.memory_space<semaphore_mem>>)
      %dma_wait3A = tpu.memref_slice %arg6[%mul3A_18] : memref<16384xf32, #tpu.memory_space<hbm>> -> memref<512xf32, #tpu.memory_space<hbm>>
      %dma_wait3A_45 = tpu.memref_slice %arg6[%mul3A_18] : memref<16384xf32, #tpu.memory_space<hbm>> -> memref<512xf32, #tpu.memory_space<hbm>>
      tpu.wait_dma2 semaphore(%run_scoped3A : memref<!tpu.dma_semaphore, #tpu.memory_space<semaphore_mem>>) src(%arg11 : memref<512xf32, #tpu.memory_space<vmem>>) dst(%dma_wait3A_45 : memref<512xf32, #tpu.memory_space<hbm>>)
      tpu.yield
    }) : () -> ()
    return
  }
}

module attributes {stable_mosaic.version = 14 : i64} {
  func.func @_k1_body(%arg0: i32, %arg1: memref<512x8xf32, #tpu.memory_space<vmem>>, %arg2: memref<8x64xf32, #tpu.memory_space<vmem>>, %arg3: memref<1x64xf32, #tpu.memory_space<vmem>>, %arg4: memref<512x64xf32, #tpu.memory_space<vmem>>, %arg5: memref<1x64xf32, #tpu.memory_space<vmem>>, %arg6: memref<1x64xf32, #tpu.memory_space<vmem>>) attributes {dimension_semantics = [#tpu.dimension_semantics<arbitrary>], iteration_bounds = array<i64: 32>, scalar_prefetch = 0 : i64, scratch_operands = 0 : i64, tpu.core_type = #tpu.core_type<tc>, window_params = [{transform_indices = @transform_0, window_bounds = array<i64: 512, 8>}, {pipeline_mode = #tpu.pipeline_mode<synchronous>, transform_indices = @transform_1, window_bounds = array<i64: 8, 64>}, {pipeline_mode = #tpu.pipeline_mode<synchronous>, transform_indices = @transform_2, window_bounds = array<i64: 1, 64>}, {transform_indices = @transform_3, window_bounds = array<i64: 512, 64>}, {pipeline_mode = #tpu.pipeline_mode<synchronous>, transform_indices = @transform_4, window_bounds = array<i64: 1, 64>}, {pipeline_mode = #tpu.pipeline_mode<synchronous>, transform_indices = @transform_5, window_bounds = array<i64: 1, 64>}]} {
    %get3A = arith.constant 0 : index
    %get3A_0 = arith.constant 0 : index
    %get3A_1 = vector.load %arg1[%get3A, %get3A_0] : memref<512x8xf32, #tpu.memory_space<vmem>>, vector<512x8xf32>
    %get3A_2 = arith.constant 0 : index
    %get3A_3 = arith.constant 0 : index
    %get3A_4 = vector.load %arg2[%get3A_2, %get3A_3] : memref<8x64xf32, #tpu.memory_space<vmem>>, vector<8x64xf32>
    %dot_general3A = arith.constant dense<0.000000e+00> : vector<512x64xf32>
    %dot_general3A_5 = tpu.matmul %get3A_1, %get3A_4, %dot_general3A {dimension_numbers = #tpu.dot_dimension_numbers<[1], [0], [0], [1], [0, 0, 1, 1], [], []>, transpose_lhs_hint = false} : vector<512x8xf32>, vector<8x64xf32>, vector<512x64xf32> -> vector<512x64xf32>
    %get3A_6 = arith.constant 0 : index
    %get3A_7 = arith.constant 0 : index
    %get3A_8 = vector.load %arg3[%get3A_6, %get3A_7] : memref<1x64xf32, #tpu.memory_space<vmem>>, vector<1x64xf32>
    %add3A = vector.broadcast %get3A_8 : vector<1x64xf32> to vector<512x64xf32>
    %add3A_9 = arith.addf %dot_general3A_5, %add3A : vector<512x64xf32>
    %swap3A = arith.constant 0 : index
    %swap3A_10 = arith.constant 0 : index
    %swap3A_11 = vector.load %arg4[%swap3A, %swap3A_10] : memref<512x64xf32, #tpu.memory_space<vmem>>, vector<512x64xf32>
    tpu.vector_store %arg4[%swap3A, %swap3A_10], %add3A_9 {strides = array<i32>} : memref<512x64xf32, #tpu.memory_space<vmem>>, vector<512x64xf32>,
    %reduce_sum3A = arith.constant dense<0.000000e+00> : vector<64xf32>
    %reduce_sum3A_12 = vector.multi_reduction <add>, %add3A_9, %reduce_sum3A [0] : vector<512x64xf32> to vector<64xf32>
    %broadcast_in_dim3A = vector.shape_cast %reduce_sum3A_12 : vector<64xf32> to vector<1x64xf32>
    %mul3A = arith.mulf %add3A_9, %add3A_9 : vector<512x64xf32>
    %reduce_sum3A_13 = arith.constant dense<0.000000e+00> : vector<64xf32>
    %reduce_sum3A_14 = vector.multi_reduction <add>, %mul3A, %reduce_sum3A_13 [0] : vector<512x64xf32> to vector<64xf32>
    %broadcast_in_dim3A_15 = vector.shape_cast %reduce_sum3A_14 : vector<64xf32> to vector<1x64xf32>
    %eq3A = arith.constant 0 : i32
    %eq3A_16 = arith.cmpi eq, %arg0, %eq3A : i32
    %convert_element_type3A = arith.extui %eq3A_16 : i1 to i32
    %cond3A = arith.constant 0 : i32
    %cond3A_17 = arith.cmpi ne, %convert_element_type3A, %cond3A : i32
    scf.if %cond3A_17 {
      %swap3A_22 = arith.constant 0 : index
      %swap3A_23 = arith.constant 0 : index
      %swap3A_24 = vector.load %arg5[%swap3A_22, %swap3A_23] : memref<1x64xf32, #tpu.memory_space<vmem>>, vector<1x64xf32>
      tpu.vector_store %arg5[%swap3A_22, %swap3A_23], %broadcast_in_dim3A {strides = array<i32>} : memref<1x64xf32, #tpu.memory_space<vmem>>, vector<1x64xf32>,
      %swap3A_25 = arith.constant 0 : index
      %swap3A_26 = arith.constant 0 : index
      %swap3A_27 = vector.load %arg6[%swap3A_25, %swap3A_26] : memref<1x64xf32, #tpu.memory_space<vmem>>, vector<1x64xf32>
      tpu.vector_store %arg6[%swap3A_25, %swap3A_26], %broadcast_in_dim3A_15 {strides = array<i32>} : memref<1x64xf32, #tpu.memory_space<vmem>>, vector<1x64xf32>,
    } else {
    }
    %gt3A = arith.constant 0 : i32
    %gt3A_18 = arith.cmpi sgt, %arg0, %gt3A : i32
    %convert_element_type3A_19 = arith.extui %gt3A_18 : i1 to i32
    %cond3A_20 = arith.constant 0 : i32
    %cond3A_21 = arith.cmpi ne, %convert_element_type3A_19, %cond3A_20 : i32
    scf.if %cond3A_21 {
      %get3A_22 = arith.constant 0 : index
      %get3A_23 = arith.constant 0 : index
      %get3A_24 = vector.load %arg5[%get3A_22, %get3A_23] : memref<1x64xf32, #tpu.memory_space<vmem>>, vector<1x64xf32>
      %add3A_25 = arith.addf %get3A_24, %broadcast_in_dim3A : vector<1x64xf32>
      %swap3A_26 = arith.constant 0 : index
      %swap3A_27 = arith.constant 0 : index
      %swap3A_28 = vector.load %arg5[%swap3A_26, %swap3A_27] : memref<1x64xf32, #tpu.memory_space<vmem>>, vector<1x64xf32>
      tpu.vector_store %arg5[%swap3A_26, %swap3A_27], %add3A_25 {strides = array<i32>} : memref<1x64xf32, #tpu.memory_space<vmem>>, vector<1x64xf32>,
      %get3A_29 = arith.constant 0 : index
      %get3A_30 = arith.constant 0 : index
      %get3A_31 = vector.load %arg6[%get3A_29, %get3A_30] : memref<1x64xf32, #tpu.memory_space<vmem>>, vector<1x64xf32>
      %add3A_32 = arith.addf %get3A_31, %broadcast_in_dim3A_15 : vector<1x64xf32>
      %swap3A_33 = arith.constant 0 : index
      %swap3A_34 = arith.constant 0 : index
      %swap3A_35 = vector.load %arg6[%swap3A_33, %swap3A_34] : memref<1x64xf32, #tpu.memory_space<vmem>>, vector<1x64xf32>
      tpu.vector_store %arg6[%swap3A_33, %swap3A_34], %add3A_32 {strides = array<i32>} : memref<1x64xf32, #tpu.memory_space<vmem>>, vector<1x64xf32>,
    } else {
    }
    return
  }
  func.func @transform_0(%arg0: i32) -> (i32, i32) {
    %c0_i32 = arith.constant 0 : i32
    %c0_i32_0 = arith.constant 0 : i32
    return %arg0, %c0_i32 : i32, i32
  }
  func.func @transform_1(%arg0: i32) -> (i32, i32) {
    %c0_i32 = arith.constant 0 : i32
    %c0_i32_0 = arith.constant 0 : i32
    %c0_i32_1 = arith.constant 0 : i32
    return %c0_i32, %c0_i32_0 : i32, i32
  }
  func.func @transform_2(%arg0: i32) -> (i32, i32) {
    %c0_i32 = arith.constant 0 : i32
    %c0_i32_0 = arith.constant 0 : i32
    %c0_i32_1 = arith.constant 0 : i32
    return %c0_i32, %c0_i32_0 : i32, i32
  }
  func.func @transform_3(%arg0: i32) -> (i32, i32) {
    %c0_i32 = arith.constant 0 : i32
    %c0_i32_0 = arith.constant 0 : i32
    return %arg0, %c0_i32 : i32, i32
  }
  func.func @transform_4(%arg0: i32) -> (i32, i32) {
    %c0_i32 = arith.constant 0 : i32
    %c0_i32_0 = arith.constant 0 : i32
    %c0_i32_1 = arith.constant 0 : i32
    return %c0_i32, %c0_i32_0 : i32, i32
  }
  func.func @transform_5(%arg0: i32) -> (i32, i32) {
    %c0_i32 = arith.constant 0 : i32
    %c0_i32_0 = arith.constant 0 : i32
    %c0_i32_1 = arith.constant 0 : i32
    return %c0_i32, %c0_i32_0 : i32, i32
  }
}

module attributes {stable_mosaic.version = 14 : i64} {
  func.func @_k2_body(%arg0: i32, %arg1: memref<512x64xf32, #tpu.memory_space<vmem>>, %arg2: memref<1x64xf32, #tpu.memory_space<vmem>>, %arg3: memref<1x64xf32, #tpu.memory_space<vmem>>, %arg4: memref<64x512xf32, #tpu.memory_space<vmem>>, %arg5: memref<1x512xf32, #tpu.memory_space<vmem>>, %arg6: memref<512x64xf32, #tpu.memory_space<vmem>>, %arg7: memref<512x8xf32, #tpu.memory_space<vmem>>, %arg8: memref<1x512xf32, #tpu.memory_space<vmem>>, %arg9: memref<1x512xf32, #tpu.memory_space<vmem>>, %arg10: memref<1x1x512xf32, #tpu.memory_space<vmem>>, %arg11: memref<1x1x512xf32, #tpu.memory_space<vmem>>) attributes {dimension_semantics = [#tpu.dimension_semantics<arbitrary>], iteration_bounds = array<i64: 32>, scalar_prefetch = 0 : i64, scratch_operands = 0 : i64, tpu.core_type = #tpu.core_type<tc>, window_params = [{transform_indices = @transform_0, window_bounds = array<i64: 512, 64>}, {pipeline_mode = #tpu.pipeline_mode<synchronous>, transform_indices = @transform_1, window_bounds = array<i64: 1, 64>}, {pipeline_mode = #tpu.pipeline_mode<synchronous>, transform_indices = @transform_2, window_bounds = array<i64: 1, 64>}, {pipeline_mode = #tpu.pipeline_mode<synchronous>, transform_indices = @transform_3, window_bounds = array<i64: 64, 512>}, {pipeline_mode = #tpu.pipeline_mode<synchronous>, transform_indices = @transform_4, window_bounds = array<i64: 1, 512>}, {transform_indices = @transform_5, window_bounds = array<i64: 512, 64>}, {transform_indices = @transform_6, window_bounds = array<i64: 512, 8>}, {pipeline_mode = #tpu.pipeline_mode<synchronous>, transform_indices = @transform_7, window_bounds = array<i64: 1, 512>}, {pipeline_mode = #tpu.pipeline_mode<synchronous>, transform_indices = @transform_8, window_bounds = array<i64: 1, 512>}, {transform_indices = @transform_9, window_bounds = array<i64: 1, 1, 512>}, {transform_indices = @transform_10, window_bounds = array<i64: 1, 1, 512>}]} {
    %get3A = arith.constant 0 : index
    %get3A_0 = arith.constant 0 : index
    %get3A_1 = vector.load %arg1[%get3A, %get3A_0] : memref<512x64xf32, #tpu.memory_space<vmem>>, vector<512x64xf32>
    %get3A_2 = arith.constant 0 : index
    %get3A_3 = arith.constant 0 : index
    %get3A_4 = vector.load %arg2[%get3A_2, %get3A_3] : memref<1x64xf32, #tpu.memory_space<vmem>>, vector<1x64xf32>
    %mul3A = vector.broadcast %get3A_4 : vector<1x64xf32> to vector<512x64xf32>
    %mul3A_5 = arith.mulf %get3A_1, %mul3A : vector<512x64xf32>
    %get3A_6 = arith.constant 0 : index
    %get3A_7 = arith.constant 0 : index
    %get3A_8 = vector.load %arg3[%get3A_6, %get3A_7] : memref<1x64xf32, #tpu.memory_space<vmem>>, vector<1x64xf32>
    %add3A = vector.broadcast %get3A_8 : vector<1x64xf32> to vector<512x64xf32>
    %add3A_9 = arith.addf %mul3A_5, %add3A : vector<512x64xf32>
    %max3A = arith.constant 0.000000e+00 : f32
    %max3A_10 = vector.broadcast %max3A : f32 to vector<512x64xf32>
    %max3A_11 = arith.maximumf %add3A_9, %max3A_10 : vector<512x64xf32>
    %swap3A = arith.constant 0 : index
    %swap3A_12 = arith.constant 0 : index
    %swap3A_13 = vector.load %arg6[%swap3A, %swap3A_12] : memref<512x64xf32, #tpu.memory_space<vmem>>, vector<512x64xf32>
    tpu.vector_store %arg6[%swap3A, %swap3A_12], %max3A_11 {strides = array<i32>} : memref<512x64xf32, #tpu.memory_space<vmem>>, vector<512x64xf32>,
    %get3A_14 = arith.constant 0 : index
    %get3A_15 = arith.constant 0 : index
    %get3A_16 = vector.load %arg4[%get3A_14, %get3A_15] : memref<64x512xf32, #tpu.memory_space<vmem>>, vector<64x512xf32>
    %dot_general3A = arith.constant dense<0.000000e+00> : vector<512x512xf32>
    %dot_general3A_17 = tpu.matmul %max3A_11, %get3A_16, %dot_general3A {dimension_numbers = #tpu.dot_dimension_numbers<[1], [0], [0], [1], [0, 0, 1, 1], [], []>, transpose_lhs_hint = false} : vector<512x64xf32>, vector<64x512xf32>, vector<512x512xf32> -> vector<512x512xf32>
    %get3A_18 = arith.constant 0 : index
    %get3A_19 = arith.constant 0 : index
    %get3A_20 = vector.load %arg5[%get3A_18, %get3A_19] : memref<1x512xf32, #tpu.memory_space<vmem>>, vector<1x512xf32>
    %add3A_21 = vector.broadcast %get3A_20 : vector<1x512xf32> to vector<512x512xf32>
    %add3A_22 = arith.addf %dot_general3A_17, %add3A_21 : vector<512x512xf32>
    %slice3A = vector.extract_strided_slice %add3A_22 {offsets = [0, 0], sizes = [512, 8], strides = [1, 1]} : vector<512x512xf32> to vector<512x8xf32>
    %swap3A_23 = arith.constant 0 : index
    %swap3A_24 = arith.constant 0 : index
    %swap3A_25 = vector.load %arg7[%swap3A_23, %swap3A_24] : memref<512x8xf32, #tpu.memory_space<vmem>>, vector<512x8xf32>
    tpu.vector_store %arg7[%swap3A_23, %swap3A_24], %slice3A {strides = array<i32>} : memref<512x8xf32, #tpu.memory_space<vmem>>, vector<512x8xf32>,
    %reduce_sum3A = arith.constant dense<0.000000e+00> : vector<512xf32>
    %reduce_sum3A_26 = vector.multi_reduction <add>, %add3A_22, %reduce_sum3A [0] : vector<512x512xf32> to vector<512xf32>
    %broadcast_in_dim3A = vector.shape_cast %reduce_sum3A_26 : vector<512xf32> to vector<1x512xf32>
    %mul3A_27 = arith.mulf %add3A_22, %add3A_22 : vector<512x512xf32>
    %reduce_sum3A_28 = arith.constant dense<0.000000e+00> : vector<512xf32>
    %reduce_sum3A_29 = vector.multi_reduction <add>, %mul3A_27, %reduce_sum3A_28 [0] : vector<512x512xf32> to vector<512xf32>
    %broadcast_in_dim3A_30 = vector.shape_cast %reduce_sum3A_29 : vector<512xf32> to vector<1x512xf32>
    %eq3A = arith.constant 0 : i32
    %eq3A_31 = arith.cmpi eq, %arg0, %eq3A : i32
    %convert_element_type3A = arith.extui %eq3A_31 : i1 to i32
    %cond3A = arith.constant 0 : i32
    %cond3A_32 = arith.cmpi ne, %convert_element_type3A, %cond3A : i32
    scf.if %cond3A_32 {
      %swap3A_77 = arith.constant 0 : index
      %swap3A_78 = arith.constant 0 : index
      %swap3A_79 = vector.load %arg8[%swap3A_77, %swap3A_78] : memref<1x512xf32, #tpu.memory_space<vmem>>, vector<1x512xf32>
      tpu.vector_store %arg8[%swap3A_77, %swap3A_78], %broadcast_in_dim3A {strides = array<i32>} : memref<1x512xf32, #tpu.memory_space<vmem>>, vector<1x512xf32>,
      %swap3A_80 = arith.constant 0 : index
      %swap3A_81 = arith.constant 0 : index
      %swap3A_82 = vector.load %arg9[%swap3A_80, %swap3A_81] : memref<1x512xf32, #tpu.memory_space<vmem>>, vector<1x512xf32>
      tpu.vector_store %arg9[%swap3A_80, %swap3A_81], %broadcast_in_dim3A_30 {strides = array<i32>} : memref<1x512xf32, #tpu.memory_space<vmem>>, vector<1x512xf32>,
    } else {
    }
    %gt3A = arith.constant 0 : i32
    %gt3A_33 = arith.cmpi sgt, %arg0, %gt3A : i32
    %convert_element_type3A_34 = arith.extui %gt3A_33 : i1 to i32
    %cond3A_35 = arith.constant 0 : i32
    %cond3A_36 = arith.cmpi ne, %convert_element_type3A_34, %cond3A_35 : i32
    scf.if %cond3A_36 {
      %get3A_77 = arith.constant 0 : index
      %get3A_78 = arith.constant 0 : index
      %get3A_79 = vector.load %arg8[%get3A_77, %get3A_78] : memref<1x512xf32, #tpu.memory_space<vmem>>, vector<1x512xf32>
      %add3A_80 = arith.addf %get3A_79, %broadcast_in_dim3A : vector<1x512xf32>
      %swap3A_81 = arith.constant 0 : index
      %swap3A_82 = arith.constant 0 : index
      %swap3A_83 = vector.load %arg8[%swap3A_81, %swap3A_82] : memref<1x512xf32, #tpu.memory_space<vmem>>, vector<1x512xf32>
      tpu.vector_store %arg8[%swap3A_81, %swap3A_82], %add3A_80 {strides = array<i32>} : memref<1x512xf32, #tpu.memory_space<vmem>>, vector<1x512xf32>,
      %get3A_84 = arith.constant 0 : index
      %get3A_85 = arith.constant 0 : index
      %get3A_86 = vector.load %arg9[%get3A_84, %get3A_85] : memref<1x512xf32, #tpu.memory_space<vmem>>, vector<1x512xf32>
      %add3A_87 = arith.addf %get3A_86, %broadcast_in_dim3A_30 : vector<1x512xf32>
      %swap3A_88 = arith.constant 0 : index
      %swap3A_89 = arith.constant 0 : index
      %swap3A_90 = vector.load %arg9[%swap3A_88, %swap3A_89] : memref<1x512xf32, #tpu.memory_space<vmem>>, vector<1x512xf32>
      tpu.vector_store %arg9[%swap3A_88, %swap3A_89], %add3A_87 {strides = array<i32>} : memref<1x512xf32, #tpu.memory_space<vmem>>, vector<1x512xf32>,
    } else {
    }
    %reduce_max3A = arith.constant dense<0xFF800000> : vector<512xf32>
    %reduce_max3A_37 = vector.multi_reduction <maximumf>, %add3A_22, %reduce_max3A [0] : vector<512x512xf32> to vector<512xf32>
    %broadcast_in_dim3A_38 = vector.shape_cast %reduce_max3A_37 : vector<512xf32> to vector<1x512xf32>
    %reduce_min3A = arith.constant dense<0x7F800000> : vector<512xf32>
    %reduce_min3A_39 = vector.multi_reduction <minimumf>, %add3A_22, %reduce_min3A [0] : vector<512x512xf32> to vector<512xf32>
    %broadcast_in_dim3A_40 = vector.shape_cast %reduce_min3A_39 : vector<512xf32> to vector<1x512xf32>
    %jit3A = arith.constant 8 : i32
    %eq3A_41 = arith.constant 0 : i32
    %eq3A_42 = arith.cmpi eq, %jit3A, %eq3A_41 : i32
    %jit3A_43 = arith.constant 1 : i32
    %select_n3A = arith.select %eq3A_42, %jit3A_43, %jit3A : i32
    %rem3A = arith.remsi %arg0, %select_n3A : i32
    %ne3A = arith.constant 0 : i32
    %ne3A_44 = arith.cmpi ne, %rem3A, %ne3A : i32
    %lt3A = arith.constant 0 : i32
    %lt3A_45 = arith.cmpi slt, %rem3A, %lt3A : i32
    %lt3A_46 = arith.constant 0 : i32
    %lt3A_47 = arith.cmpi slt, %select_n3A, %lt3A_46 : i32
    %ne3A_48 = arith.xori %lt3A_45, %lt3A_47 : i1
    %and3A = arith.andi %ne3A_48, %ne3A_44 : i1
    %add3A_49 = arith.addi %rem3A, %select_n3A : i32
    %select_n3A_50 = arith.select %and3A, %add3A_49, %rem3A : i32
    %eq3A_51 = arith.constant 0 : i32
    %eq3A_52 = arith.cmpi eq, %select_n3A_50, %eq3A_51 : i32
    %convert_element_type3A_53 = arith.extui %eq3A_52 : i1 to i32
    %cond3A_54 = arith.constant 0 : i32
    %cond3A_55 = arith.cmpi ne, %convert_element_type3A_53, %cond3A_54 : i32
    scf.if %cond3A_55 {
      %swap3A_77 = arith.constant 0 : index
      %swap3A_78 = arith.constant 0 : index
      %swap3A_79 = arith.constant 0 : index
      %swap3A_80 = vector.load %arg10[%swap3A_77, %swap3A_78, %swap3A_79] : memref<1x1x512xf32, #tpu.memory_space<vmem>>, vector<1x1x512xf32>
      %swap3A_81 = vector.shape_cast %swap3A_80 : vector<1x1x512xf32> to vector<1x512xf32>
      %swap3A_82 = vector.shape_cast %broadcast_in_dim3A_38 : vector<1x512xf32> to vector<1x1x512xf32>
      tpu.vector_store %arg10[%swap3A_77, %swap3A_78, %swap3A_79], %swap3A_82 {strides = array<i32>} : memref<1x1x512xf32, #tpu.memory_space<vmem>>, vector<1x1x512xf32>,
      %swap3A_83 = arith.constant 0 : index
      %swap3A_84 = arith.constant 0 : index
      %swap3A_85 = arith.constant 0 : index
      %swap3A_86 = vector.load %arg11[%swap3A_83, %swap3A_84, %swap3A_85] : memref<1x1x512xf32, #tpu.memory_space<vmem>>, vector<1x1x512xf32>
      %swap3A_87 = vector.shape_cast %swap3A_86 : vector<1x1x512xf32> to vector<1x512xf32>
      %swap3A_88 = vector.shape_cast %broadcast_in_dim3A_40 : vector<1x512xf32> to vector<1x1x512xf32>
      tpu.vector_store %arg11[%swap3A_83, %swap3A_84, %swap3A_85], %swap3A_88 {strides = array<i32>} : memref<1x1x512xf32, #tpu.memory_space<vmem>>, vector<1x1x512xf32>,
    } else {
    }
    %jit3A_56 = arith.constant 8 : i32
    %eq3A_57 = arith.constant 0 : i32
    %eq3A_58 = arith.cmpi eq, %jit3A_56, %eq3A_57 : i32
    %jit3A_59 = arith.constant 1 : i32
    %select_n3A_60 = arith.select %eq3A_58, %jit3A_59, %jit3A_56 : i32
    %rem3A_61 = arith.remsi %arg0, %select_n3A_60 : i32
    %ne3A_62 = arith.constant 0 : i32
    %ne3A_63 = arith.cmpi ne, %rem3A_61, %ne3A_62 : i32
    %lt3A_64 = arith.constant 0 : i32
    %lt3A_65 = arith.cmpi slt, %rem3A_61, %lt3A_64 : i32
    %lt3A_66 = arith.constant 0 : i32
    %lt3A_67 = arith.cmpi slt, %select_n3A_60, %lt3A_66 : i32
    %ne3A_68 = arith.xori %lt3A_65, %lt3A_67 : i1
    %and3A_69 = arith.andi %ne3A_68, %ne3A_63 : i1
    %add3A_70 = arith.addi %rem3A_61, %select_n3A_60 : i32
    %select_n3A_71 = arith.select %and3A_69, %add3A_70, %rem3A_61 : i32
    %gt3A_72 = arith.constant 0 : i32
    %gt3A_73 = arith.cmpi sgt, %select_n3A_71, %gt3A_72 : i32
    %convert_element_type3A_74 = arith.extui %gt3A_73 : i1 to i32
    %cond3A_75 = arith.constant 0 : i32
    %cond3A_76 = arith.cmpi ne, %convert_element_type3A_74, %cond3A_75 : i32
    scf.if %cond3A_76 {
      %get3A_77 = arith.constant 0 : index
      %get3A_78 = arith.constant 0 : index
      %get3A_79 = arith.constant 0 : index
      %get3A_80 = vector.load %arg10[%get3A_77, %get3A_78, %get3A_79] : memref<1x1x512xf32, #tpu.memory_space<vmem>>, vector<1x1x512xf32>
      %get3A_81 = vector.shape_cast %get3A_80 : vector<1x1x512xf32> to vector<1x512xf32>
      %max3A_82 = arith.maximumf %get3A_81, %broadcast_in_dim3A_38 : vector<1x512xf32>
      %swap3A_83 = arith.constant 0 : index
      %swap3A_84 = arith.constant 0 : index
      %swap3A_85 = arith.constant 0 : index
      %swap3A_86 = vector.load %arg10[%swap3A_83, %swap3A_84, %swap3A_85] : memref<1x1x512xf32, #tpu.memory_space<vmem>>, vector<1x1x512xf32>
      %swap3A_87 = vector.shape_cast %swap3A_86 : vector<1x1x512xf32> to vector<1x512xf32>
      %swap3A_88 = vector.shape_cast %max3A_82 : vector<1x512xf32> to vector<1x1x512xf32>
      tpu.vector_store %arg10[%swap3A_83, %swap3A_84, %swap3A_85], %swap3A_88 {strides = array<i32>} : memref<1x1x512xf32, #tpu.memory_space<vmem>>, vector<1x1x512xf32>,
      %get3A_89 = arith.constant 0 : index
      %get3A_90 = arith.constant 0 : index
      %get3A_91 = arith.constant 0 : index
      %get3A_92 = vector.load %arg11[%get3A_89, %get3A_90, %get3A_91] : memref<1x1x512xf32, #tpu.memory_space<vmem>>, vector<1x1x512xf32>
      %get3A_93 = vector.shape_cast %get3A_92 : vector<1x1x512xf32> to vector<1x512xf32>
      %min3A = arith.minimumf %get3A_93, %broadcast_in_dim3A_40 : vector<1x512xf32>
      %swap3A_94 = arith.constant 0 : index
      %swap3A_95 = arith.constant 0 : index
      %swap3A_96 = arith.constant 0 : index
      %swap3A_97 = vector.load %arg11[%swap3A_94, %swap3A_95, %swap3A_96] : memref<1x1x512xf32, #tpu.memory_space<vmem>>, vector<1x1x512xf32>
      %swap3A_98 = vector.shape_cast %swap3A_97 : vector<1x1x512xf32> to vector<1x512xf32>
      %swap3A_99 = vector.shape_cast %min3A : vector<1x512xf32> to vector<1x1x512xf32>
      tpu.vector_store %arg11[%swap3A_94, %swap3A_95, %swap3A_96], %swap3A_99 {strides = array<i32>} : memref<1x1x512xf32, #tpu.memory_space<vmem>>, vector<1x1x512xf32>,
    } else {
    }
    return
  }
  func.func @transform_0(%arg0: i32) -> (i32, i32) {
    %c0_i32 = arith.constant 0 : i32
    %c0_i32_0 = arith.constant 0 : i32
    return %arg0, %c0_i32 : i32, i32
  }
  func.func @transform_1(%arg0: i32) -> (i32, i32) {
    %c0_i32 = arith.constant 0 : i32
    %c0_i32_0 = arith.constant 0 : i32
    %c0_i32_1 = arith.constant 0 : i32
    return %c0_i32, %c0_i32_0 : i32, i32
  }
  func.func @transform_2(%arg0: i32) -> (i32, i32) {
    %c0_i32 = arith.constant 0 : i32
    %c0_i32_0 = arith.constant 0 : i32
    %c0_i32_1 = arith.constant 0 : i32
    return %c0_i32, %c0_i32_0 : i32, i32
  }
  func.func @transform_3(%arg0: i32) -> (i32, i32) {
    %c0_i32 = arith.constant 0 : i32
    %c0_i32_0 = arith.constant 0 : i32
    %c0_i32_1 = arith.constant 0 : i32
    return %c0_i32, %c0_i32_0 : i32, i32
  }
  func.func @transform_4(%arg0: i32) -> (i32, i32) {
    %c0_i32 = arith.constant 0 : i32
    %c0_i32_0 = arith.constant 0 : i32
    %c0_i32_1 = arith.constant 0 : i32
    return %c0_i32, %c0_i32_0 : i32, i32
  }
  func.func @transform_5(%arg0: i32) -> (i32, i32) {
    %c0_i32 = arith.constant 0 : i32
    %c0_i32_0 = arith.constant 0 : i32
    return %arg0, %c0_i32 : i32, i32
  }
  func.func @transform_6(%arg0: i32) -> (i32, i32) {
    %c0_i32 = arith.constant 0 : i32
    %c0_i32_0 = arith.constant 0 : i32
    return %arg0, %c0_i32 : i32, i32
  }
  func.func @transform_7(%arg0: i32) -> (i32, i32) {
    %c0_i32 = arith.constant 0 : i32
    %c0_i32_0 = arith.constant 0 : i32
    %c0_i32_1 = arith.constant 0 : i32
    return %c0_i32, %c0_i32_0 : i32, i32
  }
  func.func @transform_8(%arg0: i32) -> (i32, i32) {
    %c0_i32 = arith.constant 0 : i32
    %c0_i32_0 = arith.constant 0 : i32
    %c0_i32_1 = arith.constant 0 : i32
    return %c0_i32, %c0_i32_0 : i32, i32
  }
  func.func @transform_9(%arg0: i32) -> (i32, i32, i32) {
    %jit3A = arith.constant 8 : i32
    %div3A = arith.divsi %arg0, %jit3A : i32
    %sign3A = arith.constant 0 : i32
    %sign3A_0 = arith.cmpi sgt, %arg0, %sign3A : i32
    %sign3A_1 = arith.extui %sign3A_0 : i1 to i32
    %sign3A_2 = arith.constant 0 : i32
    %sign3A_3 = arith.cmpi slt, %arg0, %sign3A_2 : i32
    %sign3A_4 = arith.extui %sign3A_3 : i1 to i32
    %sign3A_5 = arith.subi %sign3A_1, %sign3A_4 : i32
    %sign3A_6 = arith.constant 0 : i32
    %sign3A_7 = arith.cmpi sgt, %jit3A, %sign3A_6 : i32
    %sign3A_8 = arith.extui %sign3A_7 : i1 to i32
    %sign3A_9 = arith.constant 0 : i32
    %sign3A_10 = arith.cmpi slt, %jit3A, %sign3A_9 : i32
    %sign3A_11 = arith.extui %sign3A_10 : i1 to i32
    %sign3A_12 = arith.subi %sign3A_8, %sign3A_11 : i32
    %ne3A = arith.cmpi ne, %sign3A_5, %sign3A_12 : i32
    %rem3A = arith.remsi %arg0, %jit3A : i32
    %ne3A_13 = arith.constant 0 : i32
    %ne3A_14 = arith.cmpi ne, %rem3A, %ne3A_13 : i32
    %and3A = arith.andi %ne3A, %ne3A_14 : i1
    %sub3A = arith.constant 1 : i32
    %sub3A_15 = arith.subi %div3A, %sub3A : i32
    %select_n3A = arith.select %and3A, %sub3A_15, %div3A : i32
    %c0_i32 = arith.constant 0 : i32
    %c0_i32_16 = arith.constant 0 : i32
    %c0_i32_17 = arith.constant 0 : i32
    return %select_n3A, %c0_i32, %c0_i32_16 : i32, i32, i32
  }
  func.func @transform_10(%arg0: i32) -> (i32, i32, i32) {
    %jit3A = arith.constant 8 : i32
    %div3A = arith.divsi %arg0, %jit3A : i32
    %sign3A = arith.constant 0 : i32
    %sign3A_0 = arith.cmpi sgt, %arg0, %sign3A : i32
    %sign3A_1 = arith.extui %sign3A_0 : i1 to i32
    %sign3A_2 = arith.constant 0 : i32
    %sign3A_3 = arith.cmpi slt, %arg0, %sign3A_2 : i32
    %sign3A_4 = arith.extui %sign3A_3 : i1 to i32
    %sign3A_5 = arith.subi %sign3A_1, %sign3A_4 : i32
    %sign3A_6 = arith.constant 0 : i32
    %sign3A_7 = arith.cmpi sgt, %jit3A, %sign3A_6 : i32
    %sign3A_8 = arith.extui %sign3A_7 : i1 to i32
    %sign3A_9 = arith.constant 0 : i32
    %sign3A_10 = arith.cmpi slt, %jit3A, %sign3A_9 : i32
    %sign3A_11 = arith.extui %sign3A_10 : i1 to i32
    %sign3A_12 = arith.subi %sign3A_8, %sign3A_11 : i32
    %ne3A = arith.cmpi ne, %sign3A_5, %sign3A_12 : i32
    %rem3A = arith.remsi %arg0, %jit3A : i32
    %ne3A_13 = arith.constant 0 : i32
    %ne3A_14 = arith.cmpi ne, %rem3A, %ne3A_13 : i32
    %and3A = arith.andi %ne3A, %ne3A_14 : i1
    %sub3A = arith.constant 1 : i32
    %sub3A_15 = arith.subi %div3A, %sub3A : i32
    %select_n3A = arith.select %and3A, %sub3A_15, %div3A : i32
    %c0_i32 = arith.constant 0 : i32
    %c0_i32_16 = arith.constant 0 : i32
    %c0_i32_17 = arith.constant 0 : i32
    return %select_n3A, %c0_i32, %c0_i32_16 : i32, i32, i32
  }
}

module attributes {stable_mosaic.version = 14 : i64} {
  func.func @_knn_body(%arg0: i32, %arg1: i32, %arg2: memref<1x1024x8xf32, #tpu.memory_space<vmem>>, %arg3: memref<1x8x4096xf32, #tpu.memory_space<vmem>>, %arg4: memref<1x1024x8xi32, #tpu.memory_space<vmem>>) attributes {dimension_semantics = [#tpu.dimension_semantics<arbitrary>, #tpu.dimension_semantics<arbitrary>], iteration_bounds = array<i64: 4, 4>, scalar_prefetch = 0 : i64, scratch_operands = 0 : i64, tpu.core_type = #tpu.core_type<tc>, window_params = [{transform_indices = @transform_0, window_bounds = array<i64: 1, 1024, 8>}, {transform_indices = @transform_1, window_bounds = array<i64: 1, 8, 4096>}, {transform_indices = @transform_2, window_bounds = array<i64: 1, 1024, 8>}]} {
    %get3A = arith.constant 0 : index
    %get3A_0 = arith.constant 0 : index
    %get3A_1 = arith.constant 0 : index
    %get3A_2 = vector.load %arg2[%get3A, %get3A_0, %get3A_1] : memref<1x1024x8xf32, #tpu.memory_space<vmem>>, vector<1x1024x8xf32>
    %get3A_3 = vector.shape_cast %get3A_2 : vector<1x1024x8xf32> to vector<1024x8xf32>
    %get3A_4 = arith.constant 0 : index
    %get3A_5 = arith.constant 0 : index
    %get3A_6 = arith.constant 0 : index
    %get3A_7 = vector.load %arg3[%get3A_4, %get3A_5, %get3A_6] : memref<1x8x4096xf32, #tpu.memory_space<vmem>>, vector<1x8x4096xf32>
    %get3A_8 = vector.shape_cast %get3A_7 : vector<1x8x4096xf32> to vector<8x4096xf32>
    %mul3A = arith.mulf %get3A_3, %get3A_3 : vector<1024x8xf32>
    %reduce_sum3A = arith.constant dense<0.000000e+00> : vector<1024xf32>
    %reduce_sum3A_9 = vector.multi_reduction <add>, %mul3A, %reduce_sum3A [1] : vector<1024x8xf32> to vector<1024xf32>
    %broadcast_in_dim3A = vector.shape_cast %reduce_sum3A_9 : vector<1024xf32> to vector<1024x1xf32>
    %mul3A_10 = arith.mulf %get3A_8, %get3A_8 : vector<8x4096xf32>
    %reduce_sum3A_11 = arith.constant dense<0.000000e+00> : vector<4096xf32>
    %reduce_sum3A_12 = vector.multi_reduction <add>, %mul3A_10, %reduce_sum3A_11 [0] : vector<8x4096xf32> to vector<4096xf32>
    %broadcast_in_dim3A_13 = vector.shape_cast %reduce_sum3A_12 : vector<4096xf32> to vector<1x4096xf32>
    %add3A = vector.broadcast %broadcast_in_dim3A : vector<1024x1xf32> to vector<1024x4096xf32>
    %add3A_14 = vector.broadcast %broadcast_in_dim3A_13 : vector<1x4096xf32> to vector<1024x4096xf32>
    %add3A_15 = arith.addf %add3A, %add3A_14 : vector<1024x4096xf32>
    %dot_general3A = arith.constant dense<0.000000e+00> : vector<1024x4096xf32>
    %dot_general3A_16 = tpu.matmul %get3A_3, %get3A_8, %dot_general3A {dimension_numbers = #tpu.dot_dimension_numbers<[1], [0], [0], [1], [0, 0, 1, 1], [], []>, transpose_lhs_hint = false} : vector<1024x8xf32>, vector<8x4096xf32>, vector<1024x4096xf32> -> vector<1024x4096xf32>
    %mul3A_17 = arith.constant 2.000000e+00 : f32
    %mul3A_18 = vector.broadcast %mul3A_17 : f32 to vector<1024x4096xf32>
    %mul3A_19 = arith.mulf %mul3A_18, %dot_general3A_16 : vector<1024x4096xf32>
    %sub3A = arith.subf %add3A_15, %mul3A_19 : vector<1024x4096xf32>
    %iota3A = tpu.iota {dimensions = array<i32: 1>} : vector<1024x4096xi32>
    %reduce_min3A = arith.constant dense<0x7F800000> : vector<1024xf32>
    %reduce_min3A_20 = vector.multi_reduction <minimumf>, %sub3A, %reduce_min3A [1] : vector<1024x4096xf32> to vector<1024xf32>
    %broadcast_in_dim3A_21 = vector.shape_cast %reduce_min3A_20 : vector<1024xf32> to vector<1024x1xf32>
    %eq3A = vector.broadcast %broadcast_in_dim3A_21 : vector<1024x1xf32> to vector<1024x4096xf32>
    %eq3A_22 = arith.cmpf oeq, %sub3A, %eq3A : vector<1024x4096xf32>
    %jit3A = arith.constant 1073741824 : i32
    %broadcast_in_dim3A_23 = vector.broadcast %jit3A : i32 to vector<1024x4096xi32>
    %select_n3A = arith.select %eq3A_22, %iota3A, %broadcast_in_dim3A_23 : vector<1024x4096xi1>, vector<1024x4096xi32>
    %reduce_min3A_24 = arith.constant dense<2147483647> : vector<1024xi32>
    %reduce_min3A_25 = vector.multi_reduction <minsi>, %select_n3A, %reduce_min3A_24 [1] : vector<1024x4096xi32> to vector<1024xi32>
    %broadcast_in_dim3A_26 = vector.shape_cast %reduce_min3A_25 : vector<1024xi32> to vector<1024x1xi32>
    %eq3A_27 = vector.broadcast %broadcast_in_dim3A_26 : vector<1024x1xi32> to vector<1024x4096xi32>
    %eq3A_28 = arith.cmpi eq, %select_n3A, %eq3A_27 : vector<1024x4096xi32>
    %jit3A_29 = arith.constant 0x7F800000 : f32
    %broadcast_in_dim3A_30 = vector.broadcast %jit3A_29 : f32 to vector<1024x4096xf32>
    %select_n3A_31 = arith.select %eq3A_28, %broadcast_in_dim3A_30, %sub3A : vector<1024x4096xi1>, vector<1024x4096xf32>
    %reduce_min3A_32 = arith.constant dense<0x7F800000> : vector<1024xf32>
    %reduce_min3A_33 = vector.multi_reduction <minimumf>, %select_n3A_31, %reduce_min3A_32 [1] : vector<1024x4096xf32> to vector<1024xf32>
    %broadcast_in_dim3A_34 = vector.shape_cast %reduce_min3A_33 : vector<1024xf32> to vector<1024x1xf32>
    %eq3A_35 = vector.broadcast %broadcast_in_dim3A_34 : vector<1024x1xf32> to vector<1024x4096xf32>
    %eq3A_36 = arith.cmpf oeq, %select_n3A_31, %eq3A_35 : vector<1024x4096xf32>
    %jit3A_37 = arith.constant 1073741824 : i32
    %broadcast_in_dim3A_38 = vector.broadcast %jit3A_37 : i32 to vector<1024x4096xi32>
    %select_n3A_39 = arith.select %eq3A_36, %iota3A, %broadcast_in_dim3A_38 : vector<1024x4096xi1>, vector<1024x4096xi32>
    %reduce_min3A_40 = arith.constant dense<2147483647> : vector<1024xi32>
    %reduce_min3A_41 = vector.multi_reduction <minsi>, %select_n3A_39, %reduce_min3A_40 [1] : vector<1024x4096xi32> to vector<1024xi32>
    %broadcast_in_dim3A_42 = vector.shape_cast %reduce_min3A_41 : vector<1024xi32> to vector<1024x1xi32>
    %eq3A_43 = vector.broadcast %broadcast_in_dim3A_42 : vector<1024x1xi32> to vector<1024x4096xi32>
    %eq3A_44 = arith.cmpi eq, %select_n3A_39, %eq3A_43 : vector<1024x4096xi32>
    %jit3A_45 = arith.constant 0x7F800000 : f32
    %broadcast_in_dim3A_46 = vector.broadcast %jit3A_45 : f32 to vector<1024x4096xf32>
    %select_n3A_47 = arith.select %eq3A_44, %broadcast_in_dim3A_46, %select_n3A_31 : vector<1024x4096xi1>, vector<1024x4096xf32>
    %reduce_min3A_48 = arith.constant dense<0x7F800000> : vector<1024xf32>
    %reduce_min3A_49 = vector.multi_reduction <minimumf>, %select_n3A_47, %reduce_min3A_48 [1] : vector<1024x4096xf32> to vector<1024xf32>
    %broadcast_in_dim3A_50 = vector.shape_cast %reduce_min3A_49 : vector<1024xf32> to vector<1024x1xf32>
    %eq3A_51 = vector.broadcast %broadcast_in_dim3A_50 : vector<1024x1xf32> to vector<1024x4096xf32>
    %eq3A_52 = arith.cmpf oeq, %select_n3A_47, %eq3A_51 : vector<1024x4096xf32>
    %jit3A_53 = arith.constant 1073741824 : i32
    %broadcast_in_dim3A_54 = vector.broadcast %jit3A_53 : i32 to vector<1024x4096xi32>
    %select_n3A_55 = arith.select %eq3A_52, %iota3A, %broadcast_in_dim3A_54 : vector<1024x4096xi1>, vector<1024x4096xi32>
    %reduce_min3A_56 = arith.constant dense<2147483647> : vector<1024xi32>
    %reduce_min3A_57 = vector.multi_reduction <minsi>, %select_n3A_55, %reduce_min3A_56 [1] : vector<1024x4096xi32> to vector<1024xi32>
    %broadcast_in_dim3A_58 = vector.shape_cast %reduce_min3A_57 : vector<1024xi32> to vector<1024x1xi32>
    %eq3A_59 = vector.broadcast %broadcast_in_dim3A_58 : vector<1024x1xi32> to vector<1024x4096xi32>
    %eq3A_60 = arith.cmpi eq, %select_n3A_55, %eq3A_59 : vector<1024x4096xi32>
    %jit3A_61 = arith.constant 0x7F800000 : f32
    %broadcast_in_dim3A_62 = vector.broadcast %jit3A_61 : f32 to vector<1024x4096xf32>
    %select_n3A_63 = arith.select %eq3A_60, %broadcast_in_dim3A_62, %select_n3A_47 : vector<1024x4096xi1>, vector<1024x4096xf32>
    %reduce_min3A_64 = arith.constant dense<0x7F800000> : vector<1024xf32>
    %reduce_min3A_65 = vector.multi_reduction <minimumf>, %select_n3A_63, %reduce_min3A_64 [1] : vector<1024x4096xf32> to vector<1024xf32>
    %broadcast_in_dim3A_66 = vector.shape_cast %reduce_min3A_65 : vector<1024xf32> to vector<1024x1xf32>
    %eq3A_67 = vector.broadcast %broadcast_in_dim3A_66 : vector<1024x1xf32> to vector<1024x4096xf32>
    %eq3A_68 = arith.cmpf oeq, %select_n3A_63, %eq3A_67 : vector<1024x4096xf32>
    %jit3A_69 = arith.constant 1073741824 : i32
    %broadcast_in_dim3A_70 = vector.broadcast %jit3A_69 : i32 to vector<1024x4096xi32>
    %select_n3A_71 = arith.select %eq3A_68, %iota3A, %broadcast_in_dim3A_70 : vector<1024x4096xi1>, vector<1024x4096xi32>
    %reduce_min3A_72 = arith.constant dense<2147483647> : vector<1024xi32>
    %reduce_min3A_73 = vector.multi_reduction <minsi>, %select_n3A_71, %reduce_min3A_72 [1] : vector<1024x4096xi32> to vector<1024xi32>
    %broadcast_in_dim3A_74 = vector.shape_cast %reduce_min3A_73 : vector<1024xi32> to vector<1024x1xi32>
    %eq3A_75 = vector.broadcast %broadcast_in_dim3A_74 : vector<1024x1xi32> to vector<1024x4096xi32>
    %eq3A_76 = arith.cmpi eq, %select_n3A_71, %eq3A_75 : vector<1024x4096xi32>
    %jit3A_77 = arith.constant 0x7F800000 : f32
    %broadcast_in_dim3A_78 = vector.broadcast %jit3A_77 : f32 to vector<1024x4096xf32>
    %select_n3A_79 = arith.select %eq3A_76, %broadcast_in_dim3A_78, %select_n3A_63 : vector<1024x4096xi1>, vector<1024x4096xf32>
    %reduce_min3A_80 = arith.constant dense<0x7F800000> : vector<1024xf32>
    %reduce_min3A_81 = vector.multi_reduction <minimumf>, %select_n3A_79, %reduce_min3A_80 [1] : vector<1024x4096xf32> to vector<1024xf32>
    %broadcast_in_dim3A_82 = vector.shape_cast %reduce_min3A_81 : vector<1024xf32> to vector<1024x1xf32>
    %eq3A_83 = vector.broadcast %broadcast_in_dim3A_82 : vector<1024x1xf32> to vector<1024x4096xf32>
    %eq3A_84 = arith.cmpf oeq, %select_n3A_79, %eq3A_83 : vector<1024x4096xf32>
    %jit3A_85 = arith.constant 1073741824 : i32
    %broadcast_in_dim3A_86 = vector.broadcast %jit3A_85 : i32 to vector<1024x4096xi32>
    %select_n3A_87 = arith.select %eq3A_84, %iota3A, %broadcast_in_dim3A_86 : vector<1024x4096xi1>, vector<1024x4096xi32>
    %reduce_min3A_88 = arith.constant dense<2147483647> : vector<1024xi32>
    %reduce_min3A_89 = vector.multi_reduction <minsi>, %select_n3A_87, %reduce_min3A_88 [1] : vector<1024x4096xi32> to vector<1024xi32>
    %broadcast_in_dim3A_90 = vector.shape_cast %reduce_min3A_89 : vector<1024xi32> to vector<1024x1xi32>
    %eq3A_91 = vector.broadcast %broadcast_in_dim3A_90 : vector<1024x1xi32> to vector<1024x4096xi32>
    %eq3A_92 = arith.cmpi eq, %select_n3A_87, %eq3A_91 : vector<1024x4096xi32>
    %jit3A_93 = arith.constant 0x7F800000 : f32
    %broadcast_in_dim3A_94 = vector.broadcast %jit3A_93 : f32 to vector<1024x4096xf32>
    %select_n3A_95 = arith.select %eq3A_92, %broadcast_in_dim3A_94, %select_n3A_79 : vector<1024x4096xi1>, vector<1024x4096xf32>
    %reduce_min3A_96 = arith.constant dense<0x7F800000> : vector<1024xf32>
    %reduce_min3A_97 = vector.multi_reduction <minimumf>, %select_n3A_95, %reduce_min3A_96 [1] : vector<1024x4096xf32> to vector<1024xf32>
    %broadcast_in_dim3A_98 = vector.shape_cast %reduce_min3A_97 : vector<1024xf32> to vector<1024x1xf32>
    %eq3A_99 = vector.broadcast %broadcast_in_dim3A_98 : vector<1024x1xf32> to vector<1024x4096xf32>
    %eq3A_100 = arith.cmpf oeq, %select_n3A_95, %eq3A_99 : vector<1024x4096xf32>
    %jit3A_101 = arith.constant 1073741824 : i32
    %broadcast_in_dim3A_102 = vector.broadcast %jit3A_101 : i32 to vector<1024x4096xi32>
    %select_n3A_103 = arith.select %eq3A_100, %iota3A, %broadcast_in_dim3A_102 : vector<1024x4096xi1>, vector<1024x4096xi32>
    %reduce_min3A_104 = arith.constant dense<2147483647> : vector<1024xi32>
    %reduce_min3A_105 = vector.multi_reduction <minsi>, %select_n3A_103, %reduce_min3A_104 [1] : vector<1024x4096xi32> to vector<1024xi32>
    %broadcast_in_dim3A_106 = vector.shape_cast %reduce_min3A_105 : vector<1024xi32> to vector<1024x1xi32>
    %eq3A_107 = vector.broadcast %broadcast_in_dim3A_106 : vector<1024x1xi32> to vector<1024x4096xi32>
    %eq3A_108 = arith.cmpi eq, %select_n3A_103, %eq3A_107 : vector<1024x4096xi32>
    %jit3A_109 = arith.constant 0x7F800000 : f32
    %broadcast_in_dim3A_110 = vector.broadcast %jit3A_109 : f32 to vector<1024x4096xf32>
    %select_n3A_111 = arith.select %eq3A_108, %broadcast_in_dim3A_110, %select_n3A_95 : vector<1024x4096xi1>, vector<1024x4096xf32>
    %reduce_min3A_112 = arith.constant dense<0x7F800000> : vector<1024xf32>
    %reduce_min3A_113 = vector.multi_reduction <minimumf>, %select_n3A_111, %reduce_min3A_112 [1] : vector<1024x4096xf32> to vector<1024xf32>
    %broadcast_in_dim3A_114 = vector.shape_cast %reduce_min3A_113 : vector<1024xf32> to vector<1024x1xf32>
    %eq3A_115 = vector.broadcast %broadcast_in_dim3A_114 : vector<1024x1xf32> to vector<1024x4096xf32>
    %eq3A_116 = arith.cmpf oeq, %select_n3A_111, %eq3A_115 : vector<1024x4096xf32>
    %jit3A_117 = arith.constant 1073741824 : i32
    %broadcast_in_dim3A_118 = vector.broadcast %jit3A_117 : i32 to vector<1024x4096xi32>
    %select_n3A_119 = arith.select %eq3A_116, %iota3A, %broadcast_in_dim3A_118 : vector<1024x4096xi1>, vector<1024x4096xi32>
    %reduce_min3A_120 = arith.constant dense<2147483647> : vector<1024xi32>
    %reduce_min3A_121 = vector.multi_reduction <minsi>, %select_n3A_119, %reduce_min3A_120 [1] : vector<1024x4096xi32> to vector<1024xi32>
    %broadcast_in_dim3A_122 = vector.shape_cast %reduce_min3A_121 : vector<1024xi32> to vector<1024x1xi32>
    %eq3A_123 = vector.broadcast %broadcast_in_dim3A_122 : vector<1024x1xi32> to vector<1024x4096xi32>
    %eq3A_124 = arith.cmpi eq, %select_n3A_119, %eq3A_123 : vector<1024x4096xi32>
    %jit3A_125 = arith.constant 0x7F800000 : f32
    %broadcast_in_dim3A_126 = vector.broadcast %jit3A_125 : f32 to vector<1024x4096xf32>
    %select_n3A_127 = arith.select %eq3A_124, %broadcast_in_dim3A_126, %select_n3A_111 : vector<1024x4096xi1>, vector<1024x4096xf32>
    %reduce_min3A_128 = arith.constant dense<0x7F800000> : vector<1024xf32>
    %reduce_min3A_129 = vector.multi_reduction <minimumf>, %select_n3A_127, %reduce_min3A_128 [1] : vector<1024x4096xf32> to vector<1024xf32>
    %broadcast_in_dim3A_130 = vector.shape_cast %reduce_min3A_129 : vector<1024xf32> to vector<1024x1xf32>
    %eq3A_131 = vector.broadcast %broadcast_in_dim3A_130 : vector<1024x1xf32> to vector<1024x4096xf32>
    %eq3A_132 = arith.cmpf oeq, %select_n3A_127, %eq3A_131 : vector<1024x4096xf32>
    %jit3A_133 = arith.constant 1073741824 : i32
    %broadcast_in_dim3A_134 = vector.broadcast %jit3A_133 : i32 to vector<1024x4096xi32>
    %select_n3A_135 = arith.select %eq3A_132, %iota3A, %broadcast_in_dim3A_134 : vector<1024x4096xi1>, vector<1024x4096xi32>
    %reduce_min3A_136 = arith.constant dense<2147483647> : vector<1024xi32>
    %reduce_min3A_137 = vector.multi_reduction <minsi>, %select_n3A_135, %reduce_min3A_136 [1] : vector<1024x4096xi32> to vector<1024xi32>
    %broadcast_in_dim3A_138 = vector.shape_cast %reduce_min3A_137 : vector<1024xi32> to vector<1024x1xi32>
    %concatenate3A = tpu.concatenate %broadcast_in_dim3A_26, %broadcast_in_dim3A_42, %broadcast_in_dim3A_58, %broadcast_in_dim3A_74, %broadcast_in_dim3A_90, %broadcast_in_dim3A_106, %broadcast_in_dim3A_122, %broadcast_in_dim3A_138 in 1 : vector<1024x1xi32>, vector<1024x1xi32>, vector<1024x1xi32>, vector<1024x1xi32>, vector<1024x1xi32>, vector<1024x1xi32>, vector<1024x1xi32>, vector<1024x1xi32> -> vector<1024x8xi32>
    %swap3A = arith.constant 0 : index
    %swap3A_139 = arith.constant 0 : index
    %swap3A_140 = arith.constant 0 : index
    %swap3A_141 = vector.load %arg4[%swap3A, %swap3A_139, %swap3A_140] : memref<1x1024x8xi32, #tpu.memory_space<vmem>>, vector<1x1024x8xi32>
    %swap3A_142 = vector.shape_cast %swap3A_141 : vector<1x1024x8xi32> to vector<1024x8xi32>
    %swap3A_143 = vector.shape_cast %concatenate3A : vector<1024x8xi32> to vector<1x1024x8xi32>
    tpu.vector_store %arg4[%swap3A, %swap3A_139, %swap3A_140], %swap3A_143 {strides = array<i32>} : memref<1x1024x8xi32, #tpu.memory_space<vmem>>, vector<1x1024x8xi32>,
    return
  }
  func.func @transform_0(%arg0: i32, %arg1: i32) -> (i32, i32, i32) {
    %c0_i32 = arith.constant 0 : i32
    %c0_i32_0 = arith.constant 0 : i32
    return %arg0, %arg1, %c0_i32 : i32, i32, i32
  }
  func.func @transform_1(%arg0: i32, %arg1: i32) -> (i32, i32, i32) {
    %c0_i32 = arith.constant 0 : i32
    %c0_i32_0 = arith.constant 0 : i32
    %c0_i32_1 = arith.constant 0 : i32
    return %arg0, %c0_i32, %c0_i32_0 : i32, i32, i32
  }
  func.func @transform_2(%arg0: i32, %arg1: i32) -> (i32, i32, i32) {
    %c0_i32 = arith.constant 0 : i32
    %c0_i32_0 = arith.constant 0 : i32
    return %arg0, %arg1, %c0_i32 : i32, i32, i32
  }
}

module attributes {stable_mosaic.version = 14 : i64} {
  func.func @_k5_body(%arg0: i32, %arg1: memref<512x64xf32, #tpu.memory_space<vmem>>, %arg2: memref<512x1xf32, #tpu.memory_space<vmem>>, %arg3: memref<1x1x512xf32, #tpu.memory_space<vmem>>, %arg4: memref<64x512xf32, #tpu.memory_space<vmem>>, %arg5: memref<512x512xf32, #tpu.memory_space<vmem>>, %arg6: memref<1x512xf32, #tpu.memory_space<vmem>>, %arg7: memref<1x512xf32, #tpu.memory_space<vmem>>, %arg8: memref<512x512xf32, #tpu.memory_space<vmem>>, %arg9: memref<1x512xf32, #tpu.memory_space<vmem>>, %arg10: memref<1x512xf32, #tpu.memory_space<vmem>>) attributes {dimension_semantics = [#tpu.dimension_semantics<arbitrary>], iteration_bounds = array<i64: 32>, scalar_prefetch = 0 : i64, scratch_operands = 0 : i64, tpu.core_type = #tpu.core_type<tc>, window_params = [{transform_indices = @transform_0, window_bounds = array<i64: 512, 64>}, {transform_indices = @transform_1, window_bounds = array<i64: 512, 1>}, {transform_indices = @transform_2, window_bounds = array<i64: 1, 1, 512>}, {pipeline_mode = #tpu.pipeline_mode<synchronous>, transform_indices = @transform_3, window_bounds = array<i64: 64, 512>}, {pipeline_mode = #tpu.pipeline_mode<synchronous>, transform_indices = @transform_4, window_bounds = array<i64: 512, 512>}, {pipeline_mode = #tpu.pipeline_mode<synchronous>, transform_indices = @transform_5, window_bounds = array<i64: 1, 512>}, {pipeline_mode = #tpu.pipeline_mode<synchronous>, transform_indices = @transform_6, window_bounds = array<i64: 1, 512>}, {transform_indices = @transform_7, window_bounds = array<i64: 512, 512>}, {pipeline_mode = #tpu.pipeline_mode<synchronous>, transform_indices = @transform_8, window_bounds = array<i64: 1, 512>}, {pipeline_mode = #tpu.pipeline_mode<synchronous>, transform_indices = @transform_9, window_bounds = array<i64: 1, 512>}]} {
    %get3A = arith.constant 0 : index
    %get3A_0 = arith.constant 0 : index
    %get3A_1 = arith.constant 0 : index
    %get3A_2 = vector.load %arg3[%get3A, %get3A_0, %get3A_1] : memref<1x1x512xf32, #tpu.memory_space<vmem>>, vector<1x1x512xf32>
    %get3A_3 = vector.shape_cast %get3A_2 : vector<1x1x512xf32> to vector<1x512xf32>
    %get3A_4 = arith.constant 0 : index
    %get3A_5 = arith.constant 0 : index
    %get3A_6 = vector.load %arg5[%get3A_4, %get3A_5] : memref<512x512xf32, #tpu.memory_space<vmem>>, vector<512x512xf32>
    %dot_general3A = arith.constant dense<0.000000e+00> : vector<1x512xf32>
    %dot_general3A_7 = tpu.matmul %get3A_3, %get3A_6, %dot_general3A {dimension_numbers = #tpu.dot_dimension_numbers<[1], [0], [0], [1], [0, 0, 1, 1], [], []>, transpose_lhs_hint = false} : vector<1x512xf32>, vector<512x512xf32>, vector<1x512xf32> -> vector<1x512xf32>
    %get3A_8 = arith.constant 0 : index
    %get3A_9 = arith.constant 0 : index
    %get3A_10 = vector.load %arg1[%get3A_8, %get3A_9] : memref<512x64xf32, #tpu.memory_space<vmem>>, vector<512x64xf32>
    %get3A_11 = arith.constant 0 : index
    %get3A_12 = arith.constant 0 : index
    %get3A_13 = vector.load %arg4[%get3A_11, %get3A_12] : memref<64x512xf32, #tpu.memory_space<vmem>>, vector<64x512xf32>
    %dot_general3A_14 = arith.constant dense<0.000000e+00> : vector<512x512xf32>
    %dot_general3A_15 = tpu.matmul %get3A_10, %get3A_13, %dot_general3A_14 {dimension_numbers = #tpu.dot_dimension_numbers<[1], [0], [0], [1], [0, 0, 1, 1], [], []>, transpose_lhs_hint = false} : vector<512x64xf32>, vector<64x512xf32>, vector<512x512xf32> -> vector<512x512xf32>
    %get3A_16 = arith.constant 0 : index
    %get3A_17 = arith.constant 0 : index
    %get3A_18 = vector.load %arg2[%get3A_16, %get3A_17] : memref<512x1xf32, #tpu.memory_space<vmem>>, vector<512x1xf32>
    %get3A_19 = arith.constant 0 : index
    %get3A_20 = arith.constant 0 : index
    %get3A_21 = vector.load %arg6[%get3A_19, %get3A_20] : memref<1x512xf32, #tpu.memory_space<vmem>>, vector<1x512xf32>
    %mul3A = vector.broadcast %get3A_18 : vector<512x1xf32> to vector<512x512xf32>
    %mul3A_22 = vector.broadcast %get3A_21 : vector<1x512xf32> to vector<512x512xf32>
    %mul3A_23 = arith.mulf %mul3A, %mul3A_22 : vector<512x512xf32>
    %add3A = arith.addf %dot_general3A_15, %mul3A_23 : vector<512x512xf32>
    %add3A_24 = vector.broadcast %dot_general3A_7 : vector<1x512xf32> to vector<512x512xf32>
    %add3A_25 = arith.addf %add3A, %add3A_24 : vector<512x512xf32>
    %get3A_26 = arith.constant 0 : index
    %get3A_27 = arith.constant 0 : index
    %get3A_28 = vector.load %arg7[%get3A_26, %get3A_27] : memref<1x512xf32, #tpu.memory_space<vmem>>, vector<1x512xf32>
    %add3A_29 = vector.broadcast %get3A_28 : vector<1x512xf32> to vector<512x512xf32>
    %add3A_30 = arith.addf %add3A_25, %add3A_29 : vector<512x512xf32>
    %swap3A = arith.constant 0 : index
    %swap3A_31 = arith.constant 0 : index
    %swap3A_32 = vector.load %arg8[%swap3A, %swap3A_31] : memref<512x512xf32, #tpu.memory_space<vmem>>, vector<512x512xf32>
    tpu.vector_store %arg8[%swap3A, %swap3A_31], %add3A_30 {strides = array<i32>} : memref<512x512xf32, #tpu.memory_space<vmem>>, vector<512x512xf32>,
    %reduce_sum3A = arith.constant dense<0.000000e+00> : vector<512xf32>
    %reduce_sum3A_33 = vector.multi_reduction <add>, %add3A_30, %reduce_sum3A [0] : vector<512x512xf32> to vector<512xf32>
    %broadcast_in_dim3A = vector.shape_cast %reduce_sum3A_33 : vector<512xf32> to vector<1x512xf32>
    %mul3A_34 = arith.mulf %add3A_30, %add3A_30 : vector<512x512xf32>
    %reduce_sum3A_35 = arith.constant dense<0.000000e+00> : vector<512xf32>
    %reduce_sum3A_36 = vector.multi_reduction <add>, %mul3A_34, %reduce_sum3A_35 [0] : vector<512x512xf32> to vector<512xf32>
    %broadcast_in_dim3A_37 = vector.shape_cast %reduce_sum3A_36 : vector<512xf32> to vector<1x512xf32>
    %eq3A = arith.constant 0 : i32
    %eq3A_38 = arith.cmpi eq, %arg0, %eq3A : i32
    %convert_element_type3A = arith.extui %eq3A_38 : i1 to i32
    %cond3A = arith.constant 0 : i32
    %cond3A_39 = arith.cmpi ne, %convert_element_type3A, %cond3A : i32
    scf.if %cond3A_39 {
      %swap3A_44 = arith.constant 0 : index
      %swap3A_45 = arith.constant 0 : index
      %swap3A_46 = vector.load %arg9[%swap3A_44, %swap3A_45] : memref<1x512xf32, #tpu.memory_space<vmem>>, vector<1x512xf32>
      tpu.vector_store %arg9[%swap3A_44, %swap3A_45], %broadcast_in_dim3A {strides = array<i32>} : memref<1x512xf32, #tpu.memory_space<vmem>>, vector<1x512xf32>,
      %swap3A_47 = arith.constant 0 : index
      %swap3A_48 = arith.constant 0 : index
      %swap3A_49 = vector.load %arg10[%swap3A_47, %swap3A_48] : memref<1x512xf32, #tpu.memory_space<vmem>>, vector<1x512xf32>
      tpu.vector_store %arg10[%swap3A_47, %swap3A_48], %broadcast_in_dim3A_37 {strides = array<i32>} : memref<1x512xf32, #tpu.memory_space<vmem>>, vector<1x512xf32>,
    } else {
    }
    %gt3A = arith.constant 0 : i32
    %gt3A_40 = arith.cmpi sgt, %arg0, %gt3A : i32
    %convert_element_type3A_41 = arith.extui %gt3A_40 : i1 to i32
    %cond3A_42 = arith.constant 0 : i32
    %cond3A_43 = arith.cmpi ne, %convert_element_type3A_41, %cond3A_42 : i32
    scf.if %cond3A_43 {
      %get3A_44 = arith.constant 0 : index
      %get3A_45 = arith.constant 0 : index
      %get3A_46 = vector.load %arg9[%get3A_44, %get3A_45] : memref<1x512xf32, #tpu.memory_space<vmem>>, vector<1x512xf32>
      %add3A_47 = arith.addf %get3A_46, %broadcast_in_dim3A : vector<1x512xf32>
      %swap3A_48 = arith.constant 0 : index
      %swap3A_49 = arith.constant 0 : index
      %swap3A_50 = vector.load %arg9[%swap3A_48, %swap3A_49] : memref<1x512xf32, #tpu.memory_space<vmem>>, vector<1x512xf32>
      tpu.vector_store %arg9[%swap3A_48, %swap3A_49], %add3A_47 {strides = array<i32>} : memref<1x512xf32, #tpu.memory_space<vmem>>, vector<1x512xf32>,
      %get3A_51 = arith.constant 0 : index
      %get3A_52 = arith.constant 0 : index
      %get3A_53 = vector.load %arg10[%get3A_51, %get3A_52] : memref<1x512xf32, #tpu.memory_space<vmem>>, vector<1x512xf32>
      %add3A_54 = arith.addf %get3A_53, %broadcast_in_dim3A_37 : vector<1x512xf32>
      %swap3A_55 = arith.constant 0 : index
      %swap3A_56 = arith.constant 0 : index
      %swap3A_57 = vector.load %arg10[%swap3A_55, %swap3A_56] : memref<1x512xf32, #tpu.memory_space<vmem>>, vector<1x512xf32>
      tpu.vector_store %arg10[%swap3A_55, %swap3A_56], %add3A_54 {strides = array<i32>} : memref<1x512xf32, #tpu.memory_space<vmem>>, vector<1x512xf32>,
    } else {
    }
    return
  }
  func.func @transform_0(%arg0: i32) -> (i32, i32) {
    %c0_i32 = arith.constant 0 : i32
    %c0_i32_0 = arith.constant 0 : i32
    return %arg0, %c0_i32 : i32, i32
  }
  func.func @transform_1(%arg0: i32) -> (i32, i32) {
    %c0_i32 = arith.constant 0 : i32
    %c0_i32_0 = arith.constant 0 : i32
    return %arg0, %c0_i32 : i32, i32
  }
  func.func @transform_2(%arg0: i32) -> (i32, i32, i32) {
    %jit3A = arith.constant 8 : i32
    %div3A = arith.divsi %arg0, %jit3A : i32
    %sign3A = arith.constant 0 : i32
    %sign3A_0 = arith.cmpi sgt, %arg0, %sign3A : i32
    %sign3A_1 = arith.extui %sign3A_0 : i1 to i32
    %sign3A_2 = arith.constant 0 : i32
    %sign3A_3 = arith.cmpi slt, %arg0, %sign3A_2 : i32
    %sign3A_4 = arith.extui %sign3A_3 : i1 to i32
    %sign3A_5 = arith.subi %sign3A_1, %sign3A_4 : i32
    %sign3A_6 = arith.constant 0 : i32
    %sign3A_7 = arith.cmpi sgt, %jit3A, %sign3A_6 : i32
    %sign3A_8 = arith.extui %sign3A_7 : i1 to i32
    %sign3A_9 = arith.constant 0 : i32
    %sign3A_10 = arith.cmpi slt, %jit3A, %sign3A_9 : i32
    %sign3A_11 = arith.extui %sign3A_10 : i1 to i32
    %sign3A_12 = arith.subi %sign3A_8, %sign3A_11 : i32
    %ne3A = arith.cmpi ne, %sign3A_5, %sign3A_12 : i32
    %rem3A = arith.remsi %arg0, %jit3A : i32
    %ne3A_13 = arith.constant 0 : i32
    %ne3A_14 = arith.cmpi ne, %rem3A, %ne3A_13 : i32
    %and3A = arith.andi %ne3A, %ne3A_14 : i1
    %sub3A = arith.constant 1 : i32
    %sub3A_15 = arith.subi %div3A, %sub3A : i32
    %select_n3A = arith.select %and3A, %sub3A_15, %div3A : i32
    %c0_i32 = arith.constant 0 : i32
    %c0_i32_16 = arith.constant 0 : i32
    %c0_i32_17 = arith.constant 0 : i32
    return %select_n3A, %c0_i32, %c0_i32_16 : i32, i32, i32
  }
  func.func @transform_3(%arg0: i32) -> (i32, i32) {
    %c0_i32 = arith.constant 0 : i32
    %c0_i32_0 = arith.constant 0 : i32
    %c0_i32_1 = arith.constant 0 : i32
    return %c0_i32, %c0_i32_0 : i32, i32
  }
  func.func @transform_4(%arg0: i32) -> (i32, i32) {
    %c0_i32 = arith.constant 0 : i32
    %c0_i32_0 = arith.constant 0 : i32
    %c0_i32_1 = arith.constant 0 : i32
    return %c0_i32, %c0_i32_0 : i32, i32
  }
  func.func @transform_5(%arg0: i32) -> (i32, i32) {
    %c0_i32 = arith.constant 0 : i32
    %c0_i32_0 = arith.constant 0 : i32
    %c0_i32_1 = arith.constant 0 : i32
    return %c0_i32, %c0_i32_0 : i32, i32
  }
  func.func @transform_6(%arg0: i32) -> (i32, i32) {
    %c0_i32 = arith.constant 0 : i32
    %c0_i32_0 = arith.constant 0 : i32
    %c0_i32_1 = arith.constant 0 : i32
    return %c0_i32, %c0_i32_0 : i32, i32
  }
  func.func @transform_7(%arg0: i32) -> (i32, i32) {
    %c0_i32 = arith.constant 0 : i32
    %c0_i32_0 = arith.constant 0 : i32
    return %arg0, %c0_i32 : i32, i32
  }
  func.func @transform_8(%arg0: i32) -> (i32, i32) {
    %c0_i32 = arith.constant 0 : i32
    %c0_i32_0 = arith.constant 0 : i32
    %c0_i32_1 = arith.constant 0 : i32
    return %c0_i32, %c0_i32_0 : i32, i32
  }
  func.func @transform_9(%arg0: i32) -> (i32, i32) {
    %c0_i32 = arith.constant 0 : i32
    %c0_i32_0 = arith.constant 0 : i32
    %c0_i32_1 = arith.constant 0 : i32
    return %c0_i32, %c0_i32_0 : i32, i32
  }
}

module attributes {stable_mosaic.version = 14 : i64} {
  func.func @_mid_body(%arg0: i32, %arg1: memref<512x512xf32, #tpu.memory_space<vmem>>, %arg2: memref<1x512xf32, #tpu.memory_space<vmem>>, %arg3: memref<1x512xf32, #tpu.memory_space<vmem>>, %arg4: memref<512x256xf32, #tpu.memory_space<vmem>>, %arg5: memref<1x256xf32, #tpu.memory_space<vmem>>, %arg6: memref<512x256xf32, #tpu.memory_space<vmem>>, %arg7: memref<1x256xf32, #tpu.memory_space<vmem>>, %arg8: memref<1x256xf32, #tpu.memory_space<vmem>>) attributes {dimension_semantics = [#tpu.dimension_semantics<arbitrary>], iteration_bounds = array<i64: 32>, scalar_prefetch = 0 : i64, scratch_operands = 0 : i64, tpu.core_type = #tpu.core_type<tc>, window_params = [{transform_indices = @transform_0, window_bounds = array<i64: 512, 512>}, {pipeline_mode = #tpu.pipeline_mode<synchronous>, transform_indices = @transform_1, window_bounds = array<i64: 1, 512>}, {pipeline_mode = #tpu.pipeline_mode<synchronous>, transform_indices = @transform_2, window_bounds = array<i64: 1, 512>}, {pipeline_mode = #tpu.pipeline_mode<synchronous>, transform_indices = @transform_3, window_bounds = array<i64: 512, 256>}, {pipeline_mode = #tpu.pipeline_mode<synchronous>, transform_indices = @transform_4, window_bounds = array<i64: 1, 256>}, {transform_indices = @transform_5, window_bounds = array<i64: 512, 256>}, {pipeline_mode = #tpu.pipeline_mode<synchronous>, transform_indices = @transform_6, window_bounds = array<i64: 1, 256>}, {pipeline_mode = #tpu.pipeline_mode<synchronous>, transform_indices = @transform_7, window_bounds = array<i64: 1, 256>}]} {
    %get3A = arith.constant 0 : index
    %get3A_0 = arith.constant 0 : index
    %get3A_1 = vector.load %arg1[%get3A, %get3A_0] : memref<512x512xf32, #tpu.memory_space<vmem>>, vector<512x512xf32>
    %get3A_2 = arith.constant 0 : index
    %get3A_3 = arith.constant 0 : index
    %get3A_4 = vector.load %arg2[%get3A_2, %get3A_3] : memref<1x512xf32, #tpu.memory_space<vmem>>, vector<1x512xf32>
    %mul3A = vector.broadcast %get3A_4 : vector<1x512xf32> to vector<512x512xf32>
    %mul3A_5 = arith.mulf %get3A_1, %mul3A : vector<512x512xf32>
    %get3A_6 = arith.constant 0 : index
    %get3A_7 = arith.constant 0 : index
    %get3A_8 = vector.load %arg3[%get3A_6, %get3A_7] : memref<1x512xf32, #tpu.memory_space<vmem>>, vector<1x512xf32>
    %add3A = vector.broadcast %get3A_8 : vector<1x512xf32> to vector<512x512xf32>
    %add3A_9 = arith.addf %mul3A_5, %add3A : vector<512x512xf32>
    %max3A = arith.constant 0.000000e+00 : f32
    %max3A_10 = vector.broadcast %max3A : f32 to vector<512x512xf32>
    %max3A_11 = arith.maximumf %add3A_9, %max3A_10 : vector<512x512xf32>
    %get3A_12 = arith.constant 0 : index
    %get3A_13 = arith.constant 0 : index
    %get3A_14 = vector.load %arg4[%get3A_12, %get3A_13] : memref<512x256xf32, #tpu.memory_space<vmem>>, vector<512x256xf32>
    %dot_general3A = arith.constant dense<0.000000e+00> : vector<512x256xf32>
    %dot_general3A_15 = tpu.matmul %max3A_11, %get3A_14, %dot_general3A {dimension_numbers = #tpu.dot_dimension_numbers<[1], [0], [0], [1], [0, 0, 1, 1], [], []>, transpose_lhs_hint = false} : vector<512x512xf32>, vector<512x256xf32>, vector<512x256xf32> -> vector<512x256xf32>
    %get3A_16 = arith.constant 0 : index
    %get3A_17 = arith.constant 0 : index
    %get3A_18 = vector.load %arg5[%get3A_16, %get3A_17] : memref<1x256xf32, #tpu.memory_space<vmem>>, vector<1x256xf32>
    %add3A_19 = vector.broadcast %get3A_18 : vector<1x256xf32> to vector<512x256xf32>
    %add3A_20 = arith.addf %dot_general3A_15, %add3A_19 : vector<512x256xf32>
    %swap3A = arith.constant 0 : index
    %swap3A_21 = arith.constant 0 : index
    %swap3A_22 = vector.load %arg6[%swap3A, %swap3A_21] : memref<512x256xf32, #tpu.memory_space<vmem>>, vector<512x256xf32>
    tpu.vector_store %arg6[%swap3A, %swap3A_21], %add3A_20 {strides = array<i32>} : memref<512x256xf32, #tpu.memory_space<vmem>>, vector<512x256xf32>,
    %reduce_sum3A = arith.constant dense<0.000000e+00> : vector<256xf32>
    %reduce_sum3A_23 = vector.multi_reduction <add>, %add3A_20, %reduce_sum3A [0] : vector<512x256xf32> to vector<256xf32>
    %broadcast_in_dim3A = vector.shape_cast %reduce_sum3A_23 : vector<256xf32> to vector<1x256xf32>
    %mul3A_24 = arith.mulf %add3A_20, %add3A_20 : vector<512x256xf32>
    %reduce_sum3A_25 = arith.constant dense<0.000000e+00> : vector<256xf32>
    %reduce_sum3A_26 = vector.multi_reduction <add>, %mul3A_24, %reduce_sum3A_25 [0] : vector<512x256xf32> to vector<256xf32>
    %broadcast_in_dim3A_27 = vector.shape_cast %reduce_sum3A_26 : vector<256xf32> to vector<1x256xf32>
    %eq3A = arith.constant 0 : i32
    %eq3A_28 = arith.cmpi eq, %arg0, %eq3A : i32
    %convert_element_type3A = arith.extui %eq3A_28 : i1 to i32
    %cond3A = arith.constant 0 : i32
    %cond3A_29 = arith.cmpi ne, %convert_element_type3A, %cond3A : i32
    scf.if %cond3A_29 {
      %swap3A_34 = arith.constant 0 : index
      %swap3A_35 = arith.constant 0 : index
      %swap3A_36 = vector.load %arg7[%swap3A_34, %swap3A_35] : memref<1x256xf32, #tpu.memory_space<vmem>>, vector<1x256xf32>
      tpu.vector_store %arg7[%swap3A_34, %swap3A_35], %broadcast_in_dim3A {strides = array<i32>} : memref<1x256xf32, #tpu.memory_space<vmem>>, vector<1x256xf32>,
      %swap3A_37 = arith.constant 0 : index
      %swap3A_38 = arith.constant 0 : index
      %swap3A_39 = vector.load %arg8[%swap3A_37, %swap3A_38] : memref<1x256xf32, #tpu.memory_space<vmem>>, vector<1x256xf32>
      tpu.vector_store %arg8[%swap3A_37, %swap3A_38], %broadcast_in_dim3A_27 {strides = array<i32>} : memref<1x256xf32, #tpu.memory_space<vmem>>, vector<1x256xf32>,
    } else {
    }
    %gt3A = arith.constant 0 : i32
    %gt3A_30 = arith.cmpi sgt, %arg0, %gt3A : i32
    %convert_element_type3A_31 = arith.extui %gt3A_30 : i1 to i32
    %cond3A_32 = arith.constant 0 : i32
    %cond3A_33 = arith.cmpi ne, %convert_element_type3A_31, %cond3A_32 : i32
    scf.if %cond3A_33 {
      %get3A_34 = arith.constant 0 : index
      %get3A_35 = arith.constant 0 : index
      %get3A_36 = vector.load %arg7[%get3A_34, %get3A_35] : memref<1x256xf32, #tpu.memory_space<vmem>>, vector<1x256xf32>
      %add3A_37 = arith.addf %get3A_36, %broadcast_in_dim3A : vector<1x256xf32>
      %swap3A_38 = arith.constant 0 : index
      %swap3A_39 = arith.constant 0 : index
      %swap3A_40 = vector.load %arg7[%swap3A_38, %swap3A_39] : memref<1x256xf32, #tpu.memory_space<vmem>>, vector<1x256xf32>
      tpu.vector_store %arg7[%swap3A_38, %swap3A_39], %add3A_37 {strides = array<i32>} : memref<1x256xf32, #tpu.memory_space<vmem>>, vector<1x256xf32>,
      %get3A_41 = arith.constant 0 : index
      %get3A_42 = arith.constant 0 : index
      %get3A_43 = vector.load %arg8[%get3A_41, %get3A_42] : memref<1x256xf32, #tpu.memory_space<vmem>>, vector<1x256xf32>
      %add3A_44 = arith.addf %get3A_43, %broadcast_in_dim3A_27 : vector<1x256xf32>
      %swap3A_45 = arith.constant 0 : index
      %swap3A_46 = arith.constant 0 : index
      %swap3A_47 = vector.load %arg8[%swap3A_45, %swap3A_46] : memref<1x256xf32, #tpu.memory_space<vmem>>, vector<1x256xf32>
      tpu.vector_store %arg8[%swap3A_45, %swap3A_46], %add3A_44 {strides = array<i32>} : memref<1x256xf32, #tpu.memory_space<vmem>>, vector<1x256xf32>,
    } else {
    }
    return
  }
  func.func @transform_0(%arg0: i32) -> (i32, i32) {
    %c0_i32 = arith.constant 0 : i32
    %c0_i32_0 = arith.constant 0 : i32
    return %arg0, %c0_i32 : i32, i32
  }
  func.func @transform_1(%arg0: i32) -> (i32, i32) {
    %c0_i32 = arith.constant 0 : i32
    %c0_i32_0 = arith.constant 0 : i32
    %c0_i32_1 = arith.constant 0 : i32
    return %c0_i32, %c0_i32_0 : i32, i32
  }
  func.func @transform_2(%arg0: i32) -> (i32, i32) {
    %c0_i32 = arith.constant 0 : i32
    %c0_i32_0 = arith.constant 0 : i32
    %c0_i32_1 = arith.constant 0 : i32
    return %c0_i32, %c0_i32_0 : i32, i32
  }
  func.func @transform_3(%arg0: i32) -> (i32, i32) {
    %c0_i32 = arith.constant 0 : i32
    %c0_i32_0 = arith.constant 0 : i32
    %c0_i32_1 = arith.constant 0 : i32
    return %c0_i32, %c0_i32_0 : i32, i32
  }
  func.func @transform_4(%arg0: i32) -> (i32, i32) {
    %c0_i32 = arith.constant 0 : i32
    %c0_i32_0 = arith.constant 0 : i32
    %c0_i32_1 = arith.constant 0 : i32
    return %c0_i32, %c0_i32_0 : i32, i32
  }
  func.func @transform_5(%arg0: i32) -> (i32, i32) {
    %c0_i32 = arith.constant 0 : i32
    %c0_i32_0 = arith.constant 0 : i32
    return %arg0, %c0_i32 : i32, i32
  }
  func.func @transform_6(%arg0: i32) -> (i32, i32) {
    %c0_i32 = arith.constant 0 : i32
    %c0_i32_0 = arith.constant 0 : i32
    %c0_i32_1 = arith.constant 0 : i32
    return %c0_i32, %c0_i32_0 : i32, i32
  }
  func.func @transform_7(%arg0: i32) -> (i32, i32) {
    %c0_i32 = arith.constant 0 : i32
    %c0_i32_0 = arith.constant 0 : i32
    %c0_i32_1 = arith.constant 0 : i32
    return %c0_i32, %c0_i32_0 : i32, i32
  }
}

module attributes {stable_mosaic.version = 14 : i64} {
  func.func @_mid_body(%arg0: i32, %arg1: memref<512x256xf32, #tpu.memory_space<vmem>>, %arg2: memref<1x256xf32, #tpu.memory_space<vmem>>, %arg3: memref<1x256xf32, #tpu.memory_space<vmem>>, %arg4: memref<256x128xf32, #tpu.memory_space<vmem>>, %arg5: memref<1x128xf32, #tpu.memory_space<vmem>>, %arg6: memref<512x128xf32, #tpu.memory_space<vmem>>, %arg7: memref<1x128xf32, #tpu.memory_space<vmem>>, %arg8: memref<1x128xf32, #tpu.memory_space<vmem>>) attributes {dimension_semantics = [#tpu.dimension_semantics<arbitrary>], iteration_bounds = array<i64: 32>, scalar_prefetch = 0 : i64, scratch_operands = 0 : i64, tpu.core_type = #tpu.core_type<tc>, window_params = [{transform_indices = @transform_0, window_bounds = array<i64: 512, 256>}, {pipeline_mode = #tpu.pipeline_mode<synchronous>, transform_indices = @transform_1, window_bounds = array<i64: 1, 256>}, {pipeline_mode = #tpu.pipeline_mode<synchronous>, transform_indices = @transform_2, window_bounds = array<i64: 1, 256>}, {pipeline_mode = #tpu.pipeline_mode<synchronous>, transform_indices = @transform_3, window_bounds = array<i64: 256, 128>}, {pipeline_mode = #tpu.pipeline_mode<synchronous>, transform_indices = @transform_4, window_bounds = array<i64: 1, 128>}, {transform_indices = @transform_5, window_bounds = array<i64: 512, 128>}, {pipeline_mode = #tpu.pipeline_mode<synchronous>, transform_indices = @transform_6, window_bounds = array<i64: 1, 128>}, {pipeline_mode = #tpu.pipeline_mode<synchronous>, transform_indices = @transform_7, window_bounds = array<i64: 1, 128>}]} {
    %get3A = arith.constant 0 : index
    %get3A_0 = arith.constant 0 : index
    %get3A_1 = vector.load %arg1[%get3A, %get3A_0] : memref<512x256xf32, #tpu.memory_space<vmem>>, vector<512x256xf32>
    %get3A_2 = arith.constant 0 : index
    %get3A_3 = arith.constant 0 : index
    %get3A_4 = vector.load %arg2[%get3A_2, %get3A_3] : memref<1x256xf32, #tpu.memory_space<vmem>>, vector<1x256xf32>
    %mul3A = vector.broadcast %get3A_4 : vector<1x256xf32> to vector<512x256xf32>
    %mul3A_5 = arith.mulf %get3A_1, %mul3A : vector<512x256xf32>
    %get3A_6 = arith.constant 0 : index
    %get3A_7 = arith.constant 0 : index
    %get3A_8 = vector.load %arg3[%get3A_6, %get3A_7] : memref<1x256xf32, #tpu.memory_space<vmem>>, vector<1x256xf32>
    %add3A = vector.broadcast %get3A_8 : vector<1x256xf32> to vector<512x256xf32>
    %add3A_9 = arith.addf %mul3A_5, %add3A : vector<512x256xf32>
    %max3A = arith.constant 0.000000e+00 : f32
    %max3A_10 = vector.broadcast %max3A : f32 to vector<512x256xf32>
    %max3A_11 = arith.maximumf %add3A_9, %max3A_10 : vector<512x256xf32>
    %get3A_12 = arith.constant 0 : index
    %get3A_13 = arith.constant 0 : index
    %get3A_14 = vector.load %arg4[%get3A_12, %get3A_13] : memref<256x128xf32, #tpu.memory_space<vmem>>, vector<256x128xf32>
    %dot_general3A = arith.constant dense<0.000000e+00> : vector<512x128xf32>
    %dot_general3A_15 = tpu.matmul %max3A_11, %get3A_14, %dot_general3A {dimension_numbers = #tpu.dot_dimension_numbers<[1], [0], [0], [1], [0, 0, 1, 1], [], []>, transpose_lhs_hint = false} : vector<512x256xf32>, vector<256x128xf32>, vector<512x128xf32> -> vector<512x128xf32>
    %get3A_16 = arith.constant 0 : index
    %get3A_17 = arith.constant 0 : index
    %get3A_18 = vector.load %arg5[%get3A_16, %get3A_17] : memref<1x128xf32, #tpu.memory_space<vmem>>, vector<1x128xf32>
    %add3A_19 = vector.broadcast %get3A_18 : vector<1x128xf32> to vector<512x128xf32>
    %add3A_20 = arith.addf %dot_general3A_15, %add3A_19 : vector<512x128xf32>
    %swap3A = arith.constant 0 : index
    %swap3A_21 = arith.constant 0 : index
    %swap3A_22 = vector.load %arg6[%swap3A, %swap3A_21] : memref<512x128xf32, #tpu.memory_space<vmem>>, vector<512x128xf32>
    tpu.vector_store %arg6[%swap3A, %swap3A_21], %add3A_20 {strides = array<i32>} : memref<512x128xf32, #tpu.memory_space<vmem>>, vector<512x128xf32>,
    %reduce_sum3A = arith.constant dense<0.000000e+00> : vector<128xf32>
    %reduce_sum3A_23 = vector.multi_reduction <add>, %add3A_20, %reduce_sum3A [0] : vector<512x128xf32> to vector<128xf32>
    %broadcast_in_dim3A = vector.shape_cast %reduce_sum3A_23 : vector<128xf32> to vector<1x128xf32>
    %mul3A_24 = arith.mulf %add3A_20, %add3A_20 : vector<512x128xf32>
    %reduce_sum3A_25 = arith.constant dense<0.000000e+00> : vector<128xf32>
    %reduce_sum3A_26 = vector.multi_reduction <add>, %mul3A_24, %reduce_sum3A_25 [0] : vector<512x128xf32> to vector<128xf32>
    %broadcast_in_dim3A_27 = vector.shape_cast %reduce_sum3A_26 : vector<128xf32> to vector<1x128xf32>
    %eq3A = arith.constant 0 : i32
    %eq3A_28 = arith.cmpi eq, %arg0, %eq3A : i32
    %convert_element_type3A = arith.extui %eq3A_28 : i1 to i32
    %cond3A = arith.constant 0 : i32
    %cond3A_29 = arith.cmpi ne, %convert_element_type3A, %cond3A : i32
    scf.if %cond3A_29 {
      %swap3A_34 = arith.constant 0 : index
      %swap3A_35 = arith.constant 0 : index
      %swap3A_36 = vector.load %arg7[%swap3A_34, %swap3A_35] : memref<1x128xf32, #tpu.memory_space<vmem>>, vector<1x128xf32>
      tpu.vector_store %arg7[%swap3A_34, %swap3A_35], %broadcast_in_dim3A {strides = array<i32>} : memref<1x128xf32, #tpu.memory_space<vmem>>, vector<1x128xf32>,
      %swap3A_37 = arith.constant 0 : index
      %swap3A_38 = arith.constant 0 : index
      %swap3A_39 = vector.load %arg8[%swap3A_37, %swap3A_38] : memref<1x128xf32, #tpu.memory_space<vmem>>, vector<1x128xf32>
      tpu.vector_store %arg8[%swap3A_37, %swap3A_38], %broadcast_in_dim3A_27 {strides = array<i32>} : memref<1x128xf32, #tpu.memory_space<vmem>>, vector<1x128xf32>,
    } else {
    }
    %gt3A = arith.constant 0 : i32
    %gt3A_30 = arith.cmpi sgt, %arg0, %gt3A : i32
    %convert_element_type3A_31 = arith.extui %gt3A_30 : i1 to i32
    %cond3A_32 = arith.constant 0 : i32
    %cond3A_33 = arith.cmpi ne, %convert_element_type3A_31, %cond3A_32 : i32
    scf.if %cond3A_33 {
      %get3A_34 = arith.constant 0 : index
      %get3A_35 = arith.constant 0 : index
      %get3A_36 = vector.load %arg7[%get3A_34, %get3A_35] : memref<1x128xf32, #tpu.memory_space<vmem>>, vector<1x128xf32>
      %add3A_37 = arith.addf %get3A_36, %broadcast_in_dim3A : vector<1x128xf32>
      %swap3A_38 = arith.constant 0 : index
      %swap3A_39 = arith.constant 0 : index
      %swap3A_40 = vector.load %arg7[%swap3A_38, %swap3A_39] : memref<1x128xf32, #tpu.memory_space<vmem>>, vector<1x128xf32>
      tpu.vector_store %arg7[%swap3A_38, %swap3A_39], %add3A_37 {strides = array<i32>} : memref<1x128xf32, #tpu.memory_space<vmem>>, vector<1x128xf32>,
      %get3A_41 = arith.constant 0 : index
      %get3A_42 = arith.constant 0 : index
      %get3A_43 = vector.load %arg8[%get3A_41, %get3A_42] : memref<1x128xf32, #tpu.memory_space<vmem>>, vector<1x128xf32>
      %add3A_44 = arith.addf %get3A_43, %broadcast_in_dim3A_27 : vector<1x128xf32>
      %swap3A_45 = arith.constant 0 : index
      %swap3A_46 = arith.constant 0 : index
      %swap3A_47 = vector.load %arg8[%swap3A_45, %swap3A_46] : memref<1x128xf32, #tpu.memory_space<vmem>>, vector<1x128xf32>
      tpu.vector_store %arg8[%swap3A_45, %swap3A_46], %add3A_44 {strides = array<i32>} : memref<1x128xf32, #tpu.memory_space<vmem>>, vector<1x128xf32>,
    } else {
    }
    return
  }
  func.func @transform_0(%arg0: i32) -> (i32, i32) {
    %c0_i32 = arith.constant 0 : i32
    %c0_i32_0 = arith.constant 0 : i32
    return %arg0, %c0_i32 : i32, i32
  }
  func.func @transform_1(%arg0: i32) -> (i32, i32) {
    %c0_i32 = arith.constant 0 : i32
    %c0_i32_0 = arith.constant 0 : i32
    %c0_i32_1 = arith.constant 0 : i32
    return %c0_i32, %c0_i32_0 : i32, i32
  }
  func.func @transform_2(%arg0: i32) -> (i32, i32) {
    %c0_i32 = arith.constant 0 : i32
    %c0_i32_0 = arith.constant 0 : i32
    %c0_i32_1 = arith.constant 0 : i32
    return %c0_i32, %c0_i32_0 : i32, i32
  }
  func.func @transform_3(%arg0: i32) -> (i32, i32) {
    %c0_i32 = arith.constant 0 : i32
    %c0_i32_0 = arith.constant 0 : i32
    %c0_i32_1 = arith.constant 0 : i32
    return %c0_i32, %c0_i32_0 : i32, i32
  }
  func.func @transform_4(%arg0: i32) -> (i32, i32) {
    %c0_i32 = arith.constant 0 : i32
    %c0_i32_0 = arith.constant 0 : i32
    %c0_i32_1 = arith.constant 0 : i32
    return %c0_i32, %c0_i32_0 : i32, i32
  }
  func.func @transform_5(%arg0: i32) -> (i32, i32) {
    %c0_i32 = arith.constant 0 : i32
    %c0_i32_0 = arith.constant 0 : i32
    return %arg0, %c0_i32 : i32, i32
  }
  func.func @transform_6(%arg0: i32) -> (i32, i32) {
    %c0_i32 = arith.constant 0 : i32
    %c0_i32_0 = arith.constant 0 : i32
    %c0_i32_1 = arith.constant 0 : i32
    return %c0_i32, %c0_i32_0 : i32, i32
  }
  func.func @transform_7(%arg0: i32) -> (i32, i32) {
    %c0_i32 = arith.constant 0 : i32
    %c0_i32_0 = arith.constant 0 : i32
    %c0_i32_1 = arith.constant 0 : i32
    return %c0_i32, %c0_i32_0 : i32, i32
  }
}

module attributes {stable_mosaic.version = 14 : i64} {
  func.func @_k8_body(%arg0: i32, %arg1: memref<512x128xf32, #tpu.memory_space<vmem>>, %arg2: memref<1x128xf32, #tpu.memory_space<vmem>>, %arg3: memref<1x128xf32, #tpu.memory_space<vmem>>, %arg4: memref<128x6xf32, #tpu.memory_space<vmem>>, %arg5: memref<1x6xf32, #tpu.memory_space<vmem>>, %arg6: memref<512x6xf32, #tpu.memory_space<vmem>>) attributes {dimension_semantics = [#tpu.dimension_semantics<arbitrary>], iteration_bounds = array<i64: 32>, scalar_prefetch = 0 : i64, scratch_operands = 0 : i64, tpu.core_type = #tpu.core_type<tc>, window_params = [{transform_indices = @transform_0, window_bounds = array<i64: 512, 128>}, {pipeline_mode = #tpu.pipeline_mode<synchronous>, transform_indices = @transform_1, window_bounds = array<i64: 1, 128>}, {pipeline_mode = #tpu.pipeline_mode<synchronous>, transform_indices = @transform_2, window_bounds = array<i64: 1, 128>}, {pipeline_mode = #tpu.pipeline_mode<synchronous>, transform_indices = @transform_3, window_bounds = array<i64: 128, 6>}, {pipeline_mode = #tpu.pipeline_mode<synchronous>, transform_indices = @transform_4, window_bounds = array<i64: 1, 6>}, {transform_indices = @transform_5, window_bounds = array<i64: 512, 6>}]} {
    %get3A = arith.constant 0 : index
    %get3A_0 = arith.constant 0 : index
    %get3A_1 = vector.load %arg1[%get3A, %get3A_0] : memref<512x128xf32, #tpu.memory_space<vmem>>, vector<512x128xf32>
    %get3A_2 = arith.constant 0 : index
    %get3A_3 = arith.constant 0 : index
    %get3A_4 = vector.load %arg2[%get3A_2, %get3A_3] : memref<1x128xf32, #tpu.memory_space<vmem>>, vector<1x128xf32>
    %mul3A = vector.broadcast %get3A_4 : vector<1x128xf32> to vector<512x128xf32>
    %mul3A_5 = arith.mulf %get3A_1, %mul3A : vector<512x128xf32>
    %get3A_6 = arith.constant 0 : index
    %get3A_7 = arith.constant 0 : index
    %get3A_8 = vector.load %arg3[%get3A_6, %get3A_7] : memref<1x128xf32, #tpu.memory_space<vmem>>, vector<1x128xf32>
    %add3A = vector.broadcast %get3A_8 : vector<1x128xf32> to vector<512x128xf32>
    %add3A_9 = arith.addf %mul3A_5, %add3A : vector<512x128xf32>
    %max3A = arith.constant 0.000000e+00 : f32
    %max3A_10 = vector.broadcast %max3A : f32 to vector<512x128xf32>
    %max3A_11 = arith.maximumf %add3A_9, %max3A_10 : vector<512x128xf32>
    %get3A_12 = arith.constant 0 : index
    %get3A_13 = arith.constant 0 : index
    %get3A_14 = vector.load %arg4[%get3A_12, %get3A_13] : memref<128x6xf32, #tpu.memory_space<vmem>>, vector<128x6xf32>
    %dot_general3A = arith.constant dense<0.000000e+00> : vector<512x6xf32>
    %dot_general3A_15 = tpu.matmul %max3A_11, %get3A_14, %dot_general3A {dimension_numbers = #tpu.dot_dimension_numbers<[1], [0], [0], [1], [0, 0, 1, 1], [], []>, transpose_lhs_hint = false} : vector<512x128xf32>, vector<128x6xf32>, vector<512x6xf32> -> vector<512x6xf32>
    %get3A_16 = arith.constant 0 : index
    %get3A_17 = arith.constant 0 : index
    %get3A_18 = vector.load %arg5[%get3A_16, %get3A_17] : memref<1x6xf32, #tpu.memory_space<vmem>>, vector<1x6xf32>
    %add3A_19 = vector.broadcast %get3A_18 : vector<1x6xf32> to vector<512x6xf32>
    %add3A_20 = arith.addf %dot_general3A_15, %add3A_19 : vector<512x6xf32>
    %swap3A = arith.constant 0 : index
    %swap3A_21 = arith.constant 0 : index
    %swap3A_22 = vector.load %arg6[%swap3A, %swap3A_21] : memref<512x6xf32, #tpu.memory_space<vmem>>, vector<512x6xf32>
    tpu.vector_store %arg6[%swap3A, %swap3A_21], %add3A_20 {strides = array<i32>} : memref<512x6xf32, #tpu.memory_space<vmem>>, vector<512x6xf32>,
    return
  }
  func.func @transform_0(%arg0: i32) -> (i32, i32) {
    %c0_i32 = arith.constant 0 : i32
    %c0_i32_0 = arith.constant 0 : i32
    return %arg0, %c0_i32 : i32, i32
  }
  func.func @transform_1(%arg0: i32) -> (i32, i32) {
    %c0_i32 = arith.constant 0 : i32
    %c0_i32_0 = arith.constant 0 : i32
    %c0_i32_1 = arith.constant 0 : i32
    return %c0_i32, %c0_i32_0 : i32, i32
  }
  func.func @transform_2(%arg0: i32) -> (i32, i32) {
    %c0_i32 = arith.constant 0 : i32
    %c0_i32_0 = arith.constant 0 : i32
    %c0_i32_1 = arith.constant 0 : i32
    return %c0_i32, %c0_i32_0 : i32, i32
  }
  func.func @transform_3(%arg0: i32) -> (i32, i32) {
    %c0_i32 = arith.constant 0 : i32
    %c0_i32_0 = arith.constant 0 : i32
    %c0_i32_1 = arith.constant 0 : i32
    return %c0_i32, %c0_i32_0 : i32, i32
  }
  func.func @transform_4(%arg0: i32) -> (i32, i32) {
    %c0_i32 = arith.constant 0 : i32
    %c0_i32_0 = arith.constant 0 : i32
    %c0_i32_1 = arith.constant 0 : i32
    return %c0_i32, %c0_i32_0 : i32, i32
  }
  func.func @transform_5(%arg0: i32) -> (i32, i32) {
    %c0_i32 = arith.constant 0 : i32
    %c0_i32_0 = arith.constant 0 : i32
    return %arg0, %c0_i32 : i32, i32
  }
}

</mosaic_0001>

<sc_bundles>
// kernel: kernel.10.cloned.1.call-start
scs
__scs_entry_jumppad:
0x0: {  	(pc) =	sbr.rel $0x88, $3  }
0x1: {  	(tag) =	ssettag $0x0;
	lr =	simm.s32 $0x1  }
0x2: {  	[smem:$0x3F8A] =	sst lr;
	_ =	strace $0xD0000000  }
0x3: {  	_ = 	snop  }
0x4: {  	_ = 	snop  }
0x5: {  	_ = 	snop  }
0x6: {  	_ = 	snop  }
0x7: {  	_ = 	snop  }
__scs_overlays_trampoline_lowered:
0x8: {  	[smem:$0x3F99] =	sst s0  }
0x9: {  	[smem:$0x3F9A] =	sst s1  }
0xa: {  	[smem:$0x3F9B] =	sst s2  }
0xb: {  	[smem:$0x3F9C] =	sst s3  }
0xc: {  	[smem:$0x3F9D] =	sst s4  }
0xd: {  	[smem:$0x3F9E] =	sst s5  }
0xe: {  	[smem:$0x3F9F] =	sst s6  }
0xf: {  	[smem:$0x3FA0] =	sst s7  }
0x10: {  	[smem:$0x3FA1] =	sst s8  }
0x11: {  	[smem:$0x3FA2] =	sst s9;
	s0 =	simm.s32 @!p0 $0x0  }
0x12: {  	s1 =	sld [smem:$0x3F88];
	s0 =	simm.s32 @p0 $0x1  }
0x13: {  	[smem:$0x3FA3] =	sst s0;
	s0 =	simm.s32 @!p1 $0x0  }
0x14: {  	s2 =	sld [smem:$0x3F87];
	s0 =	simm.s32 @p1 $0x1  }
0x15: {  	[smem:$0x3FA4] =	sst s0;
	s0 =	simm.s32 @!p2 $0x0  }
0x16: {  	s3 =	sld [smem:$0x3FDB];
	s0 =	simm.s32 @p2 $0x1  }
0x17: {  	s4 =	simm.s32 $0x1BF5;
	[smem:$0x3FA6] =	sst s0  }
0x18: {  	s0 =	sld [smem:$0x3F89];
	_ =	swait.ge [sflag:s4], $0x0  }
0x19: {  	s7 =	sld [smem:$0x3F8A]  }
0x1a: {  	s8 =	sadd.s32 $0xFFFFE003, lr  }
0x1b: {  	s9 =	sadd.s32 $0xFFFFFEF7, lr;
	s5 =	simm.s32 $0xFFFFFFFF;
	p2 =	slt.u32 s8, $0xFFFFF086  }
0x1c: {  	p1 =	slt.u32 s9, $0xF7A;
	s5 =	simm.s32 @!p2 $0x0  }
0x1d: {  	s5 =	simm.s32 @p1 $0x1;
	p0 =	seq.s32 s7, s2  }
0x1e: {  	s7 =	smul.u32 @!p0 $0xF7A, s2;
	p2 =	seq.s32 @!p0 s5, $0x0  }
0x1f: {  	s9 =	smul.u32 $0xF7A, s1;
	s8 =	simm.s32 @!p0 $0x1BF5;
	p2 =	por !p2, p0  }
0x20: {  	[sflag:s8] =	ssyncset.s32 @!p0 $0xFFFFF086;
	s6 =	sadd.s32 @!p0 s3, s7;
	s7 =	simm.s32 @!p0 $0x108  }
0x21: {  	s3 =	sadd.s32 s3, s9;
	s6 =	sadd.s32 @!p0 $0x88, s6;
	s7 =	simm.s32 @p2 $0x1082  }
0x22: {  	[simem:s7], [sflag:s8] =	dma.local @!p0 [hbm:s6], $0xF7A  }
0x23: {  	s9 =	sor.u32 $0xD0000000, s2;
	s6 =	simm.s32 $0x108;
	_ =	swait.ge @!p0 [sflag:s8], $0x0  }
0x24: {  	s3 =	sadd.s32 $0x88, s3;
	s6 =	simm.s32 @!p1 $0x1082;
	[sflag:s4] =	ssyncset.s32 $0xFFFFF086  }
0x25: {  	[simem:s6], [sflag:s4] =	dma.local [hbm:s3], $0xF7A  }
0x26: {  	[smem:$0x3F8A] =	sst s1;
	(tag) =	ssettag s2;
	_ =	strace s9  }
0x27: {  	s1 =	sld [smem:$0x3F9A]  }
0x28: {  	s2 =	sld [smem:$0x3F9B]  }
0x29: {  	s4 =	sld [smem:$0x3F9D]  }
0x2a: {  	p0 =	seq.s32 s5, $0x0;
	s5 =	sld [smem:$0x3F9E]  }
0x2b: {  	s6 =	sld [smem:$0x3F9F]  }
0x2c: {  	s7 =	sld [smem:$0x3FA0]  }
0x2d: {  	s3 =	simm.s32 $0x108;
	s8 =	sld [smem:$0x3FA1]  }
0x2e: {  	s3 =	simm.s32 @!p0 $0x1082;
	s9 =	sld [smem:$0x3FA2]  }
0x2f: {  	lr =	sadd.s32 s0, s3;
	s0 =	sld [smem:$0x3F99]  }
0x30: {  	s3 =	sld [smem:$0x3F9C]  }
0x31: {  	[smem:$0x3FA5] =	sst s10  }
0x32: {  	s10 =	sld [smem:$0x3FA3];
	_ =	sdelay $0x3  }
0x33: {  	p0 =	seq.s32 s10, $0x1;
	s10 =	sld [smem:$0x3FA5];
	_ =	sdelay $0x3  }
0x34: {  	[smem:$0x3FA5] =	sst s10  }
0x35: {  	s10 =	sld [smem:$0x3FA4];
	_ =	sdelay $0x3  }
0x36: {  	p1 =	seq.s32 s10, $0x1;
	s10 =	sld [smem:$0x3FA5];
	_ =	sdelay $0x3  }
0x37: {  	[smem:$0x3FA5] =	sst s10  }
0x38: {  	s10 =	sld [smem:$0x3FA6]  }
0x39: {  	_ = 	snop;
	(pc) =	sbr.ind lr, $3  }
0x3a: {  	_ = 	snop  }
0x3b: {  	_ = 	snop  }
0x3c: {  	p2 =	seq.s32 s10, $0x1;
	s10 =	sld [smem:$0x3FA5]  }
0x3d: {  	_ =	shalt  }
0x3e: {  	_ =	shalt  }
0x3f: {  	_ =	shalt  }
0x40: {  	_ =	shalt  }
0x41: {  	_ =	shalt  }
0x42: {  	_ =	shalt  }
0x43: {  	_ =	shalt  }
0x44: {  	_ =	shalt  }
0x45: {  	_ =	shalt  }
0x46: {  	_ =	shalt  }
0x47: {  	_ =	shalt  }
0x48: {  	_ =	shalt  }
0x49: {  	_ =	shalt  }
0x4a: {  	_ =	shalt  }
0x4b: {  	_ =	shalt  }
0x4c: {  	_ =	shalt  }
0x4d: {  	_ =	shalt  }
0x4e: {  	_ =	shalt  }
0x4f: {  	_ =	shalt  }
0x50: {  	_ =	shalt  }
0x51: {  	_ =	shalt  }
0x52: {  	_ =	shalt  }
0x53: {  	_ =	shalt  }
0x54: {  	_ =	shalt  }
0x55: {  	_ =	shalt  }
0x56: {  	_ =	shalt  }
0x57: {  	_ =	shalt  }
0x58: {  	_ =	shalt  }
0x59: {  	_ =	shalt  }
0x5a: {  	_ =	shalt  }
0x5b: {  	_ =	shalt  }
0x5c: {  	_ =	shalt  }
0x5d: {  	_ =	shalt  }
0x5e: {  	_ =	shalt  }
0x5f: {  	_ =	shalt  }
0x60: {  	_ =	shalt  }
0x61: {  	_ =	shalt  }
0x62: {  	_ =	shalt  }
0x63: {  	_ =	shalt  }
0x64: {  	_ =	shalt  }
0x65: {  	_ =	shalt  }
0x66: {  	_ =	shalt  }
0x67: {  	_ =	shalt  }
0x68: {  	_ =	shalt  }
0x69: {  	_ =	shalt  }
0x6a: {  	_ =	shalt  }
0x6b: {  	_ =	shalt  }
0x6c: {  	_ =	shalt  }
0x6d: {  	_ =	shalt  }
0x6e: {  	_ =	shalt  }
0x6f: {  	_ =	shalt  }
0x70: {  	_ =	shalt  }
0x71: {  	_ =	shalt  }
0x72: {  	_ =	shalt  }
0x73: {  	_ =	shalt  }
0x74: {  	_ =	shalt  }
0x75: {  	_ =	shalt  }
0x76: {  	_ =	shalt  }
0x77: {  	_ =	shalt  }
0x78: {  	_ =	shalt  }
0x79: {  	_ =	shalt  }
0x7a: {  	_ =	shalt  }
0x7b: {  	_ =	shalt  }
0x7c: {  	_ =	shalt  }
0x7d: {  	_ =	shalt  }
0x7e: {  	_ =	shalt  }
0x7f: {  	_ =	shalt  }
0x80: {  	_ =	shalt  }
0x81: {  	_ =	shalt  }
0x82: {  	_ =	shalt  }
0x83: {  	_ =	shalt  }
0x84: {  	_ =	shalt  }
0x85: {  	_ =	shalt  }
0x86: {  	_ =	shalt  }
0x87: {  	_ =	shalt  }
.Lfunc_end0:
.L_simem_size_0:
called_computation_lowered:
.L_overlay_start_0:
0x88: {  	s2 =	sld [smem:$0x3FD9]  }
0x89: {  	s3 =	sld [smem:$0x3FFE];
	_ =	sdelay $0x1  }
0x8a: {  	s1 =	srdreg.scid  }
0x8b: {  	s0 =	sand.u32 $0x1, s1  }
0x8c: {  	s17 =	sshll.u32 s0, $0xA;
	s2 =	sadd.s32 s3, s2  }
0x8d: {  	s2 =	sadd.s32 s2, s17  }
0x8e: {  	[smem:$0x3FB1] =	sst s2  }
0x8f: {  	_ = 	snop  }
0x90: {  	s2 =	sld [smem:$0x3FD0];
	(tm) =	ssettm $0x1  }
0x91: {  	s18 =	sld [smem:$0x3FFB];
	_ =	sdelay $0x3  }
0x92: {  	_ =	strace s18  }
0x93: {  	s3 =	sld [smem:$0x3FFC];
	_ =	sdelay $0x3  }
0x94: {  	_ =	strace s3  }
0x95: {  	s3 =	sld [smem:$0x3FFD];
	_ =	sdelay $0x3  }
0x96: {  	_ =	strace s3  }
0x97: {  	_ =	strace $0x8FFFFFFF  }
0x98: {  	s19 =	sld [smem:$0x3FDB];
	_ =	sdelay $0x1  }
0x99: {  	s4 =	simm.s32 $_scs_section_size  }
0x9a: {  	s5 =	simm.s32 $_size__tile_overlayer_lowered;
	s6 =	simm.s32 $_tile_overlayer_lowered  }
0x9b: {  	s22 =	simm.s32 $0x1BFF;
	s21 =	sshll.u32 s6, $0x1;
	s3 =	sadd.s32 s4, s19  }
0x9c: {  	s7 =	simm.s32 $0x0;
	s20 =	sshll.u32 s5, $0x1;
	s5 =	sadd.s32 s21, s3  }
0x9d: {  	[timem:s7], [sflag:s22] =	dma.local [hbm:s5], s20  }
0x9e: {  	_ =	swait.ge [sflag:s22], s20  }
0x9f: {  	s4 =	ssub.s32 $0x0, s20;
	[sflag:s22] =	ssyncset.done $0x0  }
0xa0: {  	[sflag:s22] =	ssyncadd.s32 s4;
	_ =	sdelay $0x1  }
0xa1: {  	s23 =	simm.s32 $0x1B8B  }
0xa2: {  	_ =	swait.ge [sflag:s23], $0x1  }
0xa3: {  	[sflag:s23] =	ssyncset.done $0x0  }
0xa4: {  	s25 =	simm.s32 $0x1B8E;
	s24 =	sld [smem:$0x3FFE];
	[sflag:s23] =	ssyncadd.s32 $0xFFFFFFFF  }
0xa5: {  	s26 =	simm.s32 $execute0_lowered;
	[smem:$0x3FD2] =	sst s25  }
0xa6: {  	s5 =	sshll.u32 s26, $0x1;
	_ =	strace $0x80000046;
	[dreg:$0x1] =	wrdreg $0xFFFFFFFF  }
0xa7: {  	s28 =	simm.s32 $_size_execute0_lowered;
	s3 =	sadd.s32 s3, s5;
	[dreg:$0x0] =	wrdreg $0x0  }
0xa8: {  	s5 =	sshll.u32 s28, $0x1;
	[dreg:$0x2] =	wrdreg s3  }
0xa9: {  	[dreg:$0x3] =	wrdreg s5  }
0xaa: {  	[dreg:$0x4] =	wrdreg $0xC0  }
0xab: {  	_ =	task [dreg:s7], $0x5FFFF  }
0xac: {  	[dreg:$0x1] =	wrdreg $0xFFFFFFFF  }
0xad: {  	[dreg:$0x0] =	wrdreg $0x60  }
0xae: {  	[dreg:$0x2] =	wrdreg s24  }
0xaf: {  	[dreg:$0x3] =	wrdreg s2  }
0xb0: {  	[dreg:$0x4] =	wrdreg $0x9  }
0xb1: {  	_ =	task.clear_ibuf [dreg:s7], $0x5FFFF;
	_ =	strace $0x90000046  }
0xb2: {  	s29 =	simm.s32 $0x9;
	_ =	strace $0x80000048  }
0xb3: {  	_ =	swait.ge [sflag:s29], $0x1  }
0xb4: {  	[sflag:s29] =	ssyncadd.s32 $0xFFFFFFFF  }
0xb5: {  	_ =	strace $0x90000048  }
0xb6: {  	_ =	sfence  }
0xb7: {  	s30 =	sld [smem:$0x0];
	_ =	sdelay $0x2  }
0xb8: {  	s31 =	sshll.u32 s1, $0xD;
	s1 =	sshrl.u32 s1, $0x2  }
0xb9: {  	s3 =	sand.u32 $0x4000, s31;
	s1 =	sadd.s32 s1, s30  }
0xba: {  	s0 =	sor.u32 s3, s0;
	s1 =	sshll.u32 s1, $0x11  }
0xbb: {  	s0 =	sor.u32 s1, s0  }
0xbc: {  	s0 =	sadd.s32 $0x8F2B, s0  }
0xbd: {  	[sflag:s0] =	ssyncadd.remote.s32 $0x1  }
0xbe: {  	_ =	sfence.sel $0xFFFF  }
0xbf: {  	[dreg:$0x0] =	wrdreg $0xFFFFFFFF;
	(pc) =	sbr.abs _section_cstart, $3  }
0xc0: {  	[dreg:$0x1] =	wrdreg $0xFFFFFFFF  }
0xc1: {  	_ =	task.clear_ibuf [dreg:s7], $0x2FFFF;
	_ =	strace $0x9FFFFFFF  }
0xc2: {  	(tm) =	ssettm $0x7FFFFFFF  }
0xc3: {  	_ =	shalt  }
tec
execute0_lowered:
.L_overlay_start_1:
0x0: {  	(tag) =	ssettag $0x1  }
0x1: {  	s4 =	rddreg [dreg:$0x0]  }
0x2: {  	s7 =	rddreg [dreg:$0x1]  }
0x3: {  	s0 =	rddreg [dreg:$0x2];
	s1 =	simm.s32 $0x0;
	v0 =	vimm.s32 $0xEFCDAB89;
	v1 =	vimm.s32 $0x67452301  }
0x4: {  	v2 =	vimm.s32 $0xDCFE98BA;
	s2 =	stileid.u32;
	s3 =	srdreg.scid;
	v3 =	vimm.s32 $0x54761032;
	s11 =	simm.s32 $0x9080  }
0x5: {  	v4 =	vimm.s32 $0xBA98FEDC;
	s12 =	simm.s32 $0x9100;
	s13 =	simm.s32 $0x0;
	[smem:$0x7FF] =	sst s1;
	v0 =	vunpack.c.l.s4.s8 v0;
	v1 =	vunpack.c.l.s4.s8 v1  }
0x6: {  	v5 =	vimm.s32 $0x32107654;
	v2 =	vunpack.c.l.s4.s8 v2;
	s5 =	sshll.u32 s2, $0xA;
	s3 =	sand.u32 $0x1, s3;
	s6 =	sshll.u32 s2, $0x1;
	v3 =	vunpack.c.l.s4.s8 v3  }
0x7: {  	v4 =	vunpack.c.l.s4.s8 v4;
	_ =	strace $0x80000047;
	s5 =	sand.u32 $0x3000, s5;
	s6 =	sor.u32 s3, s6;
	v0 =	vunpack.c.0.s8.s32 v0;
	v1 =	vunpack.c.0.s8.s32 v1  }
0x8: {  	v5 =	vunpack.c.l.s4.s8 v5;
	s9 =	ssub.s32 $0x2, s3;
	s3 =	sadd.s32 $0x4600, s4;
	v2 =	vunpack.c.0.s8.s32 v2;
	s5 =	sadd.s32 s5, s4;
	v3 =	vunpack.c.0.s8.s32 v3  }
0x9: {  	vm1 =	vcmask $0x2320;
	s8 =	sshll.u32 s6, $0x9;
	s10 =	sshrl.u32 s9, $0x1;
	s31 =	sshll.u32 s6, $0x6;
	v0 =	vcombine.low v1, v0  }
0xa: {  	s8 =	sadd.s32 s8, s4;
	s4 =	sadd.s32 $0x4800, s4;
	s9 =	ssub.s32 s9, s10;
	v1 =	vcombine.low v3, v2;
	v3 =	vunpack.c.0.s8.s32 v4;
	v4 =	vunpack.c.0.s8.s32 v5  }
0xb: {  	vm2 =	vcmask $0x300;
	vm0 =	vmmov $0xff;
	s5 =	sadd.s32 $0x4A00, s5;
	s7 =	sadd.s32 s7, s31;
	s10 =	simm.s32 $0x9000;
	v2 =	vlaneseq.u32  }
0xc: {  	vm1 =	vmor vm2, vm1;
	s6 =	sadd.s32 $0x8A00, s8;
	s8 =	smax.u32 s9, $0x1;
	s9 =	simm.s32 $0x1;
	v2 =	vand.u32 $0x7, v2;
	v3 =	vcombine.low v4, v3  }
.LBB2_1:
0xd: {  	[tilespmem:s1], [sflag:$0x1] =	stream.linear.gather [hbm4b:s5+s1], $0x8000, $0x38;
	[tilespmem:$0x9300] =	vst v63  }
0xe: {  	_ =	swait.ge [sflag:s9], $0x8000  }
0xf: {  	[sflag:s9] =	ssyncset.done $0x0  }
0x10: {  	s14 =	simm.s32 $0x8000;
	[sflag:s9] =	ssyncadd.s32 $0xFFFF8000  }
0x11: {  	[tilespmem:s14], [sflag:$0x1] =	stream.linear.gather [hbm4b:s6+s1], $0x1000, $0x38;
	[tilespmem:$0x9300] =	vst v63  }
0x12: {  	_ =	swait.ge [sflag:s9], $0x1000  }
0x13: {  	[sflag:s9] =	ssyncset.done $0x0  }
0x14: {  	[sflag:s9] =	ssyncadd.s32 $0xFFFFF000  }
0x15: {  	[tilespmem:s10], [sflag:$0x1] =	stream.linear.gather [hbm4b:s3+s1], $0x80, $0x38;
	[tilespmem:$0x9300] =	vst v63  }
0x16: {  	_ =	swait.ge [sflag:s9], $0x80  }
0x17: {  	[sflag:s9] =	ssyncset.done $0x0  }
0x18: {  	[sflag:s9] =	ssyncadd.s32 $0xFFFFFF80  }
0x19: {  	[tilespmem:s11], [sflag:$0x1] =	stream.linear.gather [hbm4b:s4+s1], $0x80, $0x38;
	[tilespmem:$0x9300] =	vst v63  }
0x1a: {  	_ =	swait.ge [sflag:s9], $0x80  }
0x1b: {  	[sflag:s9] =	ssyncset.done $0x0  }
0x1c: {  	[sflag:s9] =	ssyncadd.s32 $0xFFFFFF80  }
0x1d: {  	v4 =	vld [tilespmem:$0x9000]  }
0x1e: {  	v5 =	vld [tilespmem:$0x9080]  }
0x1f: {  	s16 =	simm.s32 $0x2;
	s15 =	simm.s32 $0x0;
	v6 =	vld [tilespmem:s14+$0x0]  }
.LBB2_2:
0x20: {  	p0 =	sne.s32 s16, $0x1FE;
	_ =	sdelay $0x3  }
0x21: {  	v6 =	vshll.u32 v6, $0x3  }
0x22: {  	v6 =	vor.u32 v2, v6;
	_ =	sdelay $0x4  }
0x23: {  	v6 =	vld.idx.msk [tilespmem:v6+s1+$0x0], $0xffff;
	_ =	sdelay $0x5  }
0x24: {  	v6 =	vmul.f32 v6, v4;
	_ =	sdelay $0x1  }
0x25: {  	v6 =	vadd.f32 v6, v5;
	_ =	sdelay $0x1  }
0x26: {  	v6 =	vmax.f32 v6, $0.0e+00  }
0x27: {  	v7 =	vperm.xlane v6, v0;
	_ =	sdelay $0x1  }
0x28: {  	s17 =	sadd.s32 $0x1, s15;
	v6 =	vmax.f32 v6, v7  }
0x29: {  	v8 =	vmov s17;
	v7 =	vperm.xlane v6, v1  }
0x2a: {  	v8 =	vsel vm0, s15, v8;
	s15 =	smov.u32 s16  }
0x2b: {  	v6 =	vmax.f32 v6, v7  }
.Ltmp0:
0x2c: {  	v7 =	vperm.xlane v6, v3;
	(pc) =	sbr.rel @p0 .LBB2_2-.Ltmp0, $4  }
0x2d: {  	_ = 	snop  }
0x2e: {  	v6 =	vmax.f32 v6, v7  }
0x2f: {  	s14 =	sadd.s32 $0x10, s14;
	[tilespmem:v8+s12+$0x0] =	vst.idx.msk vm1, v6  }
0x30: {  	s16 =	sadd.s32 $0x2, s16;
	v6 =	vld [tilespmem:s14+$0x0]  }
0x31: {  	_ =	sdelay $0x3  }
0x32: {  	v6 =	vshll.u32 v6, $0x3  }
0x33: {  	v6 =	vor.u32 v2, v6;
	_ =	sdelay $0x4  }
0x34: {  	v6 =	vld.idx.msk [tilespmem:v6+s1+$0x0], $0xffff;
	_ =	sdelay $0x4  }
0x35: {  	v4 =	vmul.f32 v6, v4;
	_ =	sdelay $0x1  }
0x36: {  	v4 =	vadd.f32 v4, v5;
	_ =	sdelay $0x1  }
0x37: {  	v4 =	vmax.f32 v4, $0.0e+00  }
0x38: {  	v5 =	vperm.xlane v4, v0;
	_ =	sdelay $0x1  }
0x39: {  	s14 =	sadd.s32 $0x1, s15;
	v4 =	vmax.f32 v4, v5  }
0x3a: {  	v63 =	vmov s14;
	v5 =	vperm.xlane v4, v1  }
0x3b: {  	v6 =	vsel vm0, s15, v63  }
0x3c: {  	v4 =	vmax.f32 v4, v5  }
0x3d: {  	v5 =	vperm.xlane v4, v3  }
0x3e: {  	s13 =	sadd.s32 $0x1, s13  }
0x3f: {  	p0 =	sne.s32 s13, s8;
	v4 =	vmax.f32 v4, v5  }
.Ltmp1:
0x40: {  	[tilespmem:v6+s12+$0x0] =	vst.idx.msk vm1, v4;
	(pc) =	sbr.rel @p0 .LBB2_1-.Ltmp1, $4  }
0x41: {  	[hbm4b:s7+s1] =	stream.linear.scatter [tilespmem:s12], [sflag:$0x1], $0x200, $0x38;
	[tilespmem:$0x9300] =	vst v63  }
0x42: {  	_ =	swait.ge [sflag:s9], $0x200  }
0x43: {  	[sflag:s9] =	ssyncset.done $0x0  }
0x44: {  	[sflag:s9] =	ssyncadd.s32 $0xFFFFFE00  }
0x45: {  	_ =	sfence.sel $0x180000  }
0x46: {  	[bflag:$0x0] =	sbarrier.arrive $0xFFFF  }
0x47: {  	p0 =	sne.s32 s2, $0x0;
	_ =	strace $0x90000047  }
0x48: {  	s0 =	sadd.s32 @!p0 $0x100000, s0;
	[bflag:$0x2] =	sbarrier.arrive $0xFFFF  }
0x49: {  	[sflag:s0] =	ssyncadd.tile.s32 @!p0 $0x1;
	_ =	shalt  }
.Lfunc_end2:
_tile_overlayer_lowered:
.L_overlay_start_2:
0x4a: {  	(tag) =	ssettag $0x2  }
0x4b: {  	s0 =	rddreg [dreg:$0x0];
	s2 =	stileid.u32  }
0x4c: {  	s1 =	rddreg [dreg:$0x1];
	p0 =	sne.s32 s2, $0x0  }
0x4d: {  	s3 =	rddreg [dreg:$0x2];
	[bflag:$0x3] =	sbarrier.arrive $0xFFFF;
	s2 =	simm.s32 @!p0 $0x1C01  }
0x4e: {  	[timem:s3], [sflag:s2] =	dma.local @!p0 [hbm:s0], s1  }
0x4f: {  	s0 =	simm.s32 @!p0 $0x1  }
0x50: {  	_ =	swait.ge @!p0 [sflag:s0], s1  }
0x51: {  	s1 =	ssub.s32 @!p0 $0x0, s1;
	[sflag:s0] =	ssyncset.done @!p0 $0x0  }
0x52: {  	[sflag:s0] =	ssyncadd.s32 @!p0 s1  }
0x53: {  	[bflag:$0x3] =	sbarrier.arrive $0xFFFF  }
0x54: {  	_ =	shalt  }

</sc_bundles>
